<compile_context>
chip_gen: v7x
topology: tpu7x:2x2x1
jax: 0.10.2.dev20260603
libtpu: 0.0.44.dev20260713+nightly
codegen_flags: <defaults>
</compile_context>

<pallas_src>
import functools

import jax
import jax.numpy as jnp
from jax import lax
from jax.experimental import pallas as pl
from jax.experimental.pallas import tpu as pltpu
from jax.experimental.pallas import tpu_sc as plsc

GRID_ = 48
BATCH_ = 2
CIN_ = 16
COUT_ = 32
NPTS = 80000
EPS_ = 1e-5

PROWS_ = 2560
PPK_ = PROWS_ // 8
VOL_ = GRID_ * PROWS_
DUMP_ = VOL_
AROWS_ = VOL_ + 8

NC_ = 2
NS_ = 16
NW_ = NC_ * NS_

SROWS_ = VOL_ // NS_
NPAD_ = 81920
PT_PTS_ = NPAD_ // NS_
SCH_ = 128
NSCH_ = PT_PTS_ // SCH_
SIG_ = 4
SIGCH_ = NSCH_ // SIG_

GPTS_ = NPAD_ // NW_
GCH_ = 128
NGCH_ = GPTS_ // GCH_
GSRC_ = BATCH_ * GRID_ * 2 * PPK_ * 4

SHIFTS_ = [(dy - 1) * 50 + (dx - 1) for dy in range(3) for dx in range(3)]


@functools.cache
def _mesh():
    return plsc.VectorSubcoreMesh(core_axis_name="c", subcore_axis_name="s",
                                  num_cores=NC_, num_subcores=NS_)


def _scatter_body(feat_hbm, idx_hbm, zeros_hbm, out_hbm, acc_sh, featv, idxv,
                  semf, sems):
    c = lax.axis_index("c")
    s = lax.axis_index("s")

    pltpu.sync_copy(zeros_hbm.at[pl.ds(s * SROWS_, SROWS_)],
                    acc_sh.at[pl.ds(s * SROWS_, SROWS_)])

    @pl.when(s == 0)
    def _zdump():
        pltpu.sync_copy(zeros_hbm.at[pl.ds(0, AROWS_ - VOL_)],
                        acc_sh.at[pl.ds(VOL_, AROWS_ - VOL_)])
    plsc.subcore_barrier()

    def _src(h, jj):
        return feat_hbm.at[pl.ds(s * PT_PTS_ + (h * SIGCH_ + jj) * SCH_, SCH_)]

    def _group(h, _):
        pltpu.sync_copy(idx_hbm.at[c, s, h], idxv)
        pltpu.async_copy(_src(h, 0), featv.at[0], semf)

        def _chunk(jj, _):
            bjj = lax.rem(jj, 2)
            bnx = lax.rem(jj + 1, 2)

            @pl.when(jj >= 1)
            def _ws():
                pltpu.make_async_copy(featv.at[bnx],
                                      acc_sh.at[idxv.at[jj - 1]], sems).wait()

            @pl.when(jj < SIGCH_ - 1)
            def _fn():
                pltpu.async_copy(_src(h, jj + 1), featv.at[bnx], semf)
            pltpu.make_async_copy(_src(h, jj), featv.at[bjj], semf).wait()
            pltpu.async_copy(featv.at[bjj], acc_sh.at[idxv.at[jj]], sems,
                             add=True)
            return 0
        lax.fori_loop(0, SIGCH_, _chunk, 0)
        pltpu.make_async_copy(featv.at[lax.rem(SIGCH_ - 1, 2)],
                              acc_sh.at[idxv.at[SIGCH_ - 1]], sems).wait()
        return 0
    lax.fori_loop(0, SIG_, _group, 0)
    plsc.subcore_barrier()

    pltpu.sync_copy(acc_sh.at[pl.ds(s * SROWS_, SROWS_)],
                    out_hbm.at[c, pl.ds(s * SROWS_, SROWS_)])


@functools.cache
def _scatter():
    return pl.kernel(
        _scatter_body,
        out_type=jax.ShapeDtypeStruct((BATCH_, VOL_, CIN_), jnp.float32),
        mesh=_mesh(),
        compiler_params=pltpu.CompilerParams(use_tc_tiling_on_sc=False),
        scratch_types=[
            pltpu.VMEM_SHARED((AROWS_, CIN_), jnp.float32),
            pltpu.VMEM((2, SCH_, CIN_), jnp.float32),
            pltpu.VMEM((SIGCH_, SCH_), jnp.int32),
            pltpu.SemaphoreType.DMA,
            pltpu.SemaphoreType.DMA,
        ],
    )


def _shift16(x, s):
    m = s * 16
    a = m // 128
    b = m - a * 128

    def rr(k):
        if k == 0:
            return x
        if k > 0:
            return jnp.concatenate(
                [x[k:PPK_], jnp.zeros((k, 128), x.dtype)], axis=0)
        return jnp.concatenate(
            [jnp.zeros((-k, 128), x.dtype), x[0:PPK_ + k]], axis=0)
    va = rr(a)
    if b == 0:
        return va
    vb = rr(a + 1)
    return jnp.concatenate([va[:, b:], vb[:, :b]], axis=1)


def _conv_body(x_ref, w_ref, b_ref, o_ref, g_ref):
    zp = pl.program_id(1)
    slot = lax.rem(zp, 3)

    @pl.when(zp < GRID_)
    def _compute():
        xb = x_ref[0, 0].astype(jnp.bfloat16)
        g = jnp.zeros((PPK_, 768), jnp.float32)
        for k, s in enumerate(SHIFTS_):
            g = g + jnp.dot(_shift16(xb, s), w_ref[k],
                            preferred_element_type=jnp.float32)
        g_ref[slot] = g

    @pl.when(zp == 0)
    def _z2():
        g_ref[2] = jnp.zeros((PPK_, 768), jnp.float32)

    @pl.when(zp == GRID_)
    def _z0():
        g_ref[0] = jnp.zeros((PPK_, 768), jnp.float32)

    @pl.when(zp >= 1)
    def _emit():
        s0 = lax.rem(zp + 1, 3)
        s1 = lax.rem(zp + 2, 3)
        for par in range(2):
            acc = None
            for dz, sl in ((0, s0), (1, s1), (2, slot)):
                q = g_ref[sl]
                piece = jnp.concatenate(
                    [q[:, par * 384 + t4 * 96 + dz * 32:
                         par * 384 + t4 * 96 + dz * 32 + 32]
                     for t4 in range(4)], axis=1)
                acc = piece if acc is None else acc + piece
            acc = jnp.maximum(acc + b_ref[...], 0.0)
            o_ref[0, 0, par] = acc


def _conv(dense, wbd, b4):
    grid = (BATCH_, GRID_ + 1)
    return pl.pallas_call(
        _conv_body,
        grid=grid,
        in_specs=[
            pl.BlockSpec((1, 1, PPK_, 128),
                         lambda b, z: (b, jnp.minimum(z, GRID_ - 1), 0, 0)),
            pl.BlockSpec((9, 128, 768), lambda b, z: (0, 0, 0)),
            pl.BlockSpec((1, 128), lambda b, z: (0, 0)),
        ],
        out_specs=pl.BlockSpec((1, 1, 2, PPK_, 128),
                               lambda b, z: (b, jnp.maximum(z - 1, 0), 0, 0, 0)),
        out_shape=jax.ShapeDtypeStruct((BATCH_, GRID_, 2, PPK_, 128),
                                       jnp.float32),
        scratch_shapes=[pltpu.VMEM((3, PPK_, 768), jnp.float32)],
    )(dense, wbd, b4)


def _gather_body(src_hbm, qidx_hbm, out_hbm, idxv, rows, sem):
    c = lax.axis_index("c")
    s = lax.axis_index("s")
    wid = c * NS_ + s
    pltpu.sync_copy(qidx_hbm.at[wid], idxv)
    copies = []
    for j in range(NGCH_):
        copies.append(pltpu.async_copy(
            src_hbm.at[idxv.at[j]], rows.at[pl.ds(j * GCH_, GCH_)], sem))
    for cp in copies:
        cp.wait()
    pltpu.sync_copy(rows, out_hbm.at[pl.ds(wid * GPTS_, GPTS_)])


@functools.cache
def _gather():
    return pl.kernel(
        _gather_body,
        out_type=jax.ShapeDtypeStruct((NPAD_, COUT_), jnp.float32),
        mesh=_mesh(),
        compiler_params=pltpu.CompilerParams(use_tc_tiling_on_sc=False),
        scratch_types=[
            pltpu.VMEM((NGCH_, GCH_), jnp.int32),
            pltpu.VMEM((GPTS_, COUT_), jnp.float32),
            pltpu.SemaphoreType.DMA,
        ],
    )


def _bn_body(x_ref, g_ref, bt_ref, o_ref):
    x = x_ref[...]
    nrows = NPTS // 4
    mask = lax.broadcasted_iota(jnp.int32, (NPAD_ // 4, 1), 0) < nrows
    xm = jnp.where(mask, x, 0.0)
    s1 = jnp.sum(xm, axis=0, keepdims=True)
    s2 = jnp.sum(xm * xm, axis=0, keepdims=True)
    s1 = (s1[:, 0:32] + s1[:, 32:64]) + (s1[:, 64:96] + s1[:, 96:128])
    s2 = (s2[:, 0:32] + s2[:, 32:64]) + (s2[:, 64:96] + s2[:, 96:128])
    mean = s1 / NPTS
    var = s2 / NPTS - mean * mean
    scale = lax.rsqrt(var + EPS_) * g_ref[...]
    shift = bt_ref[...] - mean * scale
    scale4 = jnp.concatenate([scale] * 4, axis=1)
    shift4 = jnp.concatenate([shift] * 4, axis=1)
    o_ref[...] = (x * scale4 + shift4)[: nrows, :]


def _bn(y0, gamma, beta):
    return pl.pallas_call(
        _bn_body,
        in_specs=[
            pl.BlockSpec((NPAD_ // 4, 128), lambda: (0, 0)),
            pl.BlockSpec((1, COUT_), lambda: (0, 0)),
            pl.BlockSpec((1, COUT_), lambda: (0, 0)),
        ],
        out_specs=pl.BlockSpec((NPTS // 4, 128), lambda: (0, 0)),
        out_shape=jax.ShapeDtypeStruct((NPTS // 4, 128), jnp.float32),
    )(y0, gamma, beta)


def kernel(features, coords, batch_idx, W, b, gamma, beta):
    f32 = jnp.float32
    pidx = (coords[:, 0] * PROWS_ + (coords[:, 1] + 1) * 50
            + (coords[:, 2] + 1)).astype(jnp.int32)

    padn = NPAD_ - NPTS
    idx_c = jnp.stack([jnp.where(batch_idx == c, pidx, DUMP_)
                       for c in range(BATCH_)])
    idx_c = jnp.pad(idx_c, ((0, 0), (0, padn)), constant_values=DUMP_)
    idx_c = idx_c.reshape(BATCH_, NS_, SIG_, SIGCH_, SCH_)
    feat_p = jnp.pad(features, ((0, padn), (0, 0)))
    zeros = jnp.zeros((SROWS_, CIN_), f32)

    dense = _scatter()(feat_p, idx_c, zeros)
    dense = dense.reshape(BATCH_, GRID_, PPK_, 128)

    wk = W.transpose(3, 4, 1, 2, 0).reshape(9, CIN_, 3 * COUT_)
    eye8 = jnp.eye(8, dtype=f32)
    wbd = jnp.einsum("tu,kcj->ktcuj", eye8, wk).reshape(9, 128, 8 * 96)
    wbd = wbd.astype(jnp.bfloat16)
    b4 = jnp.tile(b.reshape(1, COUT_), (1, 4)).astype(f32)

    out_dense = _conv(dense, wbd, b4)

    prow = (coords[:, 1] + 1) * 50 + (coords[:, 2] + 1)
    p8, t = prow // 8, prow % 8
    qidx = ((((batch_idx * GRID_ + coords[:, 0]) * 2 + t // 4) * PPK_ + p8) * 4
            + t % 4).astype(jnp.int32)
    qidx = jnp.pad(qidx, (0, padn))
    qidx = qidx.reshape(NW_, NGCH_, GCH_)
    flat = out_dense.reshape(GSRC_, COUT_)
    y0 = _gather()(flat, qidx)

    y = _bn(y0.reshape(NPAD_ // 4, 128), gamma.reshape(1, COUT_),
            beta.reshape(1, COUT_))
    return y.reshape(NPTS, COUT_)

# --- scband reference (transcript-rebuilt; emitter-appended) ---
"""Pipeline reference for scband-sparse-crb3d-28449863368848 (READ-ONLY COPY).

The authoritative reference and input builder live on the scoring server;
editing this copy changes nothing except your own understanding.
"""

import jax, jax.numpy as jnp
import numpy as np

GRID = 48
BATCH = 2
CIN = 16
COUT = 32
N = 80000
EPS = 1e-5


def setup_inputs(seed: int = 0) -> dict:
    key = jax.random.key(seed)
    ks = jax.random.split(key, 7)
    features = jax.random.normal(ks[0], (N, CIN), dtype=jnp.float32)
    coords = jax.random.randint(ks[1], (N, 3), 0, GRID, dtype=jnp.int32)
    batch_idx = jax.random.randint(ks[2], (N,), 0, BATCH, dtype=jnp.int32)
    fan_in = CIN * 27
    W = jax.random.normal(ks[3], (COUT, CIN, 3, 3, 3), dtype=jnp.float32) / np.sqrt(fan_in)
    b = jax.random.normal(ks[4], (COUT,), dtype=jnp.float32) * 0.01
    gamma = jnp.ones((COUT,), dtype=jnp.float32)
    beta = jnp.zeros((COUT,), dtype=jnp.float32)
    return {"features": features, "coords": coords, "batch_idx": batch_idx,
            "W": W, "b": b, "gamma": gamma, "beta": beta}


def reference(features, coords, batch_idx, W, b, gamma, beta):
    # SubMConv3d emulation: scatter sparse features into a dense voxel grid
    # (zeros at inactive sites), run a standard 3x3x3 conv, then gather the
    # outputs only at the active input sites (submanifold: out sites == in sites).
    dense = jnp.zeros((BATCH, CIN, GRID, GRID, GRID), dtype=features.dtype)
    dense = dense.at[batch_idx, :, coords[:, 0], coords[:, 1], coords[:, 2]].add(features)
    out = jax.lax.conv_general_dilated(
        dense, W, window_strides=(1, 1, 1), padding='SAME',
        dimension_numbers=('NCDHW', 'OIDHW', 'NCDHW'))
    out = out + b[None, :, None, None, None]
    feat = out[batch_idx, :, coords[:, 0], coords[:, 1], coords[:, 2]]  # [N, COUT]
    # Module order as written: conv -> ReLU -> BatchNorm1d over active voxels
    feat = jax.nn.relu(feat)
    mean = jnp.mean(feat, axis=0)
    var = jnp.var(feat, axis=0)
    y = (feat - mean) * jax.lax.rsqrt(var + EPS) * gamma + beta
    return y

if __name__ == "__main__":
    import jax
    _d = setup_inputs()
    print(jax.jit(kernel)(*tuple(_d.values())))

</pallas_src>

<mosaic_0001>
#map = affine_map<(d0, d1) -> (0, 0)>
#map1 = affine_map<(d0, d1) -> (0, 0, 0, 0, 0)>
#map2 = affine_map<(d0, d1) -> (0, 0, 0)>
module attributes {stable_mosaic.version = 14 : i64} {
  func.func @_scatter_body(%arg0: i32, %arg1: i32, %arg2: memref<81920x16xf32, #tpu.memory_space<hbm>>, %arg3: memref<2x16x4x10x128xi32, #tpu.memory_space<hbm>>, %arg4: memref<7680x16xf32, #tpu.memory_space<hbm>>, %arg5: memref<2x122880x16xf32, #tpu.memory_space<hbm>>, %arg6: memref<122888x16xf32, #tpu.memory_space<vmem_shared>>, %arg7: memref<2x128x16xf32, #tpu.memory_space<vmem>>, %arg8: memref<10x128xi32, #tpu.memory_space<vmem>>, %arg9: memref<!tpu.dma_semaphore, #tpu.memory_space<semaphore_mem>>, %arg10: memref<!tpu.dma_semaphore, #tpu.memory_space<semaphore_mem>>) attributes {dimension_semantics = [#tpu.dimension_semantics<core_parallel>, #tpu.dimension_semantics<subcore_parallel>], iteration_bounds = array<i64: 2, 16>, scalar_prefetch = 0 : i64, scratch_operands = 5 : i64, tpu.core_type = #tpu.core_type<sc_vector_subcore>, window_params = [{transform_indices = #map}, {transform_indices = #map1}, {transform_indices = #map}, {transform_indices = #map2}]} {
    %mul3A = arith.constant 7680 : i32
    %mul3A_0 = arith.muli %arg1, %mul3A : i32
    %mul3A_1 = arith.constant 7680 : i32
    %mul3A_2 = arith.muli %arg1, %mul3A_1 : i32
    "tpu.region"() ({
      %run_scoped3A = tpu.sem_alloc : memref<!tpu.dma_semaphore, #tpu.memory_space<semaphore_mem>>
      %dma_start3A = arith.constant 0 : i32
      %dma_start3A_16 = tpu.memref_slice %arg6[%mul3A_2, %dma_start3A] : memref<122888x16xf32, #tpu.memory_space<vmem_shared>> -> memref<7680x16xf32, #tpu.memory_space<vmem_shared>>
      %dma_start3A_17 = arith.constant 0 : i32
      %dma_start3A_18 = tpu.memref_slice %arg4[%mul3A_0, %dma_start3A_17] : memref<7680x16xf32, #tpu.memory_space<hbm>> -> memref<7680x16xf32, #tpu.memory_space<hbm>>
      tpu.enqueue_dma source(%dma_start3A_18 : memref<7680x16xf32, #tpu.memory_space<hbm>>) target(%dma_start3A_16 : memref<7680x16xf32, #tpu.memory_space<vmem_shared>>) target_semaphore(%run_scoped3A : memref<!tpu.dma_semaphore, #tpu.memory_space<semaphore_mem>>)
      %dma_wait3A = arith.constant 0 : i32
      %dma_wait3A_19 = tpu.memref_slice %arg6[%mul3A_2, %dma_wait3A] : memref<122888x16xf32, #tpu.memory_space<vmem_shared>> -> memref<7680x16xf32, #tpu.memory_space<vmem_shared>>
      %dma_wait3A_20 = arith.constant 0 : i32
      %dma_wait3A_21 = tpu.memref_slice %arg4[%mul3A_0, %dma_wait3A_20] : memref<7680x16xf32, #tpu.memory_space<hbm>> -> memref<7680x16xf32, #tpu.memory_space<hbm>>
      tpu.wait_dma2 semaphore(%run_scoped3A : memref<!tpu.dma_semaphore, #tpu.memory_space<semaphore_mem>>) src(%dma_wait3A_21 : memref<7680x16xf32, #tpu.memory_space<hbm>>) dst(%dma_wait3A_19 : memref<7680x16xf32, #tpu.memory_space<vmem_shared>>)
      tpu.yield
    }) : () -> ()
    %eq3A = arith.constant 0 : i32
    %eq3A_3 = arith.cmpi eq, %arg1, %eq3A : i32
    %convert_element_type3A = arith.extui %eq3A_3 : i1 to i32
    %cond3A = arith.constant 0 : i32
    %cond3A_4 = arith.cmpi ne, %convert_element_type3A, %cond3A : i32
    scf.if %cond3A_4 {
      "tpu.region"() ({
        %run_scoped3A = tpu.sem_alloc : memref<!tpu.dma_semaphore, #tpu.memory_space<semaphore_mem>>
        %dma_start3A = arith.constant 122880 : i32
        %dma_start3A_16 = arith.constant 0 : i32
        %dma_start3A_17 = tpu.memref_slice %arg6[%dma_start3A, %dma_start3A_16] : memref<122888x16xf32, #tpu.memory_space<vmem_shared>> -> memref<8x16xf32, #tpu.memory_space<vmem_shared>>
        %dma_start3A_18 = arith.constant 0 : i32
        %dma_start3A_19 = arith.constant 0 : i32
        %dma_start3A_20 = tpu.memref_slice %arg4[%dma_start3A_18, %dma_start3A_19] : memref<7680x16xf32, #tpu.memory_space<hbm>> -> memref<8x16xf32, #tpu.memory_space<hbm>>
        tpu.enqueue_dma source(%dma_start3A_20 : memref<8x16xf32, #tpu.memory_space<hbm>>) target(%dma_start3A_17 : memref<8x16xf32, #tpu.memory_space<vmem_shared>>) target_semaphore(%run_scoped3A : memref<!tpu.dma_semaphore, #tpu.memory_space<semaphore_mem>>)
        %dma_wait3A = arith.constant 122880 : i32
        %dma_wait3A_21 = arith.constant 0 : i32
        %dma_wait3A_22 = tpu.memref_slice %arg6[%dma_wait3A, %dma_wait3A_21] : memref<122888x16xf32, #tpu.memory_space<vmem_shared>> -> memref<8x16xf32, #tpu.memory_space<vmem_shared>>
        %dma_wait3A_23 = arith.constant 0 : i32
        %dma_wait3A_24 = arith.constant 0 : i32
        %dma_wait3A_25 = tpu.memref_slice %arg4[%dma_wait3A_23, %dma_wait3A_24] : memref<7680x16xf32, #tpu.memory_space<hbm>> -> memref<8x16xf32, #tpu.memory_space<hbm>>
        tpu.wait_dma2 semaphore(%run_scoped3A : memref<!tpu.dma_semaphore, #tpu.memory_space<semaphore_mem>>) src(%dma_wait3A_25 : memref<8x16xf32, #tpu.memory_space<hbm>>) dst(%dma_wait3A_22 : memref<8x16xf32, #tpu.memory_space<vmem_shared>>)
        tpu.yield
      }) : () -> ()
    } else {
    }
    %barrier3A = arith.constant 0 : index
    tpu.barrier barrier_id(%barrier3A)
    %scan3A = arith.constant 0 : i32
    %scan3A_5 = arith.constant 0 : i32
    %scan3A_6 = arith.constant 4 : i32
    %scan3A_7 = arith.addi %scan3A_5, %scan3A_6 : i32
    %scan3A_8 = arith.constant 1 : i32
    %scan3A_9 = scf.for %scan3A_16 = %scan3A_5 to %scan3A_7 step %scan3A_8 iter_args(%scan3A_17 = %scan3A) -> (i32)  : i32 {
      "tpu.region"() ({
        %run_scoped3A = tpu.sem_alloc : memref<!tpu.dma_semaphore, #tpu.memory_space<semaphore_mem>>
        %dma_start3A_58 = arith.constant 0 : i32
        %dma_start3A_59 = arith.constant 0 : i32
        %dma_start3A_60 = tpu.memref_slice %arg3[%arg0, %arg1, %scan3A_16, %dma_start3A_58, %dma_start3A_59] : memref<2x16x4x10x128xi32, #tpu.memory_space<hbm>> -> memref<1x1x1x10x128xi32, #tpu.memory_space<hbm>>
        %dma_start3A_61 = tpu.memref_squeeze %dma_start3A_60 : memref<1x1x1x10x128xi32, #tpu.memory_space<hbm>> -> memref<10x128xi32, #tpu.memory_space<hbm>>
        %dma_start3A_62 = arith.constant 0 : i32
        %dma_start3A_63 = arith.constant 0 : i32
        %dma_start3A_64 = tpu.memref_slice %arg3[%arg0, %arg1, %scan3A_16, %dma_start3A_62, %dma_start3A_63] : memref<2x16x4x10x128xi32, #tpu.memory_space<hbm>> -> memref<1x1x1x10x128xi32, #tpu.memory_space<hbm>>
        %dma_start3A_65 = tpu.memref_squeeze %dma_start3A_64 : memref<1x1x1x10x128xi32, #tpu.memory_space<hbm>> -> memref<10x128xi32, #tpu.memory_space<hbm>>
        tpu.enqueue_dma source(%dma_start3A_65 : memref<10x128xi32, #tpu.memory_space<hbm>>) target(%arg8 : memref<10x128xi32, #tpu.memory_space<vmem>>) target_semaphore(%run_scoped3A : memref<!tpu.dma_semaphore, #tpu.memory_space<semaphore_mem>>)
        %dma_wait3A_66 = arith.constant 0 : i32
        %dma_wait3A_67 = arith.constant 0 : i32
        %dma_wait3A_68 = tpu.memref_slice %arg3[%arg0, %arg1, %scan3A_16, %dma_wait3A_66, %dma_wait3A_67] : memref<2x16x4x10x128xi32, #tpu.memory_space<hbm>> -> memref<1x1x1x10x128xi32, #tpu.memory_space<hbm>>
        %dma_wait3A_69 = tpu.memref_squeeze %dma_wait3A_68 : memref<1x1x1x10x128xi32, #tpu.memory_space<hbm>> -> memref<10x128xi32, #tpu.memory_space<hbm>>
        %dma_wait3A_70 = arith.constant 0 : i32
        %dma_wait3A_71 = arith.constant 0 : i32
        %dma_wait3A_72 = tpu.memref_slice %arg3[%arg0, %arg1, %scan3A_16, %dma_wait3A_70, %dma_wait3A_71] : memref<2x16x4x10x128xi32, #tpu.memory_space<hbm>> -> memref<1x1x1x10x128xi32, #tpu.memory_space<hbm>>
        %dma_wait3A_73 = tpu.memref_squeeze %dma_wait3A_72 : memref<1x1x1x10x128xi32, #tpu.memory_space<hbm>> -> memref<10x128xi32, #tpu.memory_space<hbm>>
        tpu.wait_dma2 semaphore(%run_scoped3A : memref<!tpu.dma_semaphore, #tpu.memory_space<semaphore_mem>>) src(%dma_wait3A_73 : memref<10x128xi32, #tpu.memory_space<hbm>>) dst(%arg8 : memref<10x128xi32, #tpu.memory_space<vmem>>)
        tpu.yield
      }) : () -> ()
      %mul3A_18 = arith.constant 5120 : i32
      %mul3A_19 = arith.muli %arg1, %mul3A_18 : i32
      %mul3A_20 = arith.constant 10 : i32
      %mul3A_21 = arith.muli %scan3A_16, %mul3A_20 : i32
      %add3A = arith.constant 0 : i32
      %add3A_22 = arith.addi %mul3A_21, %add3A : i32
      %mul3A_23 = arith.constant 128 : i32
      %mul3A_24 = arith.muli %add3A_22, %mul3A_23 : i32
      %add3A_25 = arith.addi %mul3A_19, %mul3A_24 : i32
      %dma_start3A = arith.constant 0 : i32
      %dma_start3A_26 = arith.constant 0 : i32
      %dma_start3A_27 = arith.constant 0 : i32
      %dma_start3A_28 = tpu.memref_slice %arg7[%dma_start3A, %dma_start3A_26, %dma_start3A_27] : memref<2x128x16xf32, #tpu.memory_space<vmem>> -> memref<1x128x16xf32, #tpu.memory_space<vmem>>
      %dma_start3A_29 = tpu.memref_squeeze %dma_start3A_28 : memref<1x128x16xf32, #tpu.memory_space<vmem>> -> memref<128x16xf32, #tpu.memory_space<vmem>>
      %dma_start3A_30 = arith.constant 0 : i32
      %dma_start3A_31 = tpu.memref_slice %arg2[%add3A_25, %dma_start3A_30] : memref<81920x16xf32, #tpu.memory_space<hbm>> -> memref<128x16xf32, #tpu.memory_space<hbm>>
      %dma_start3A_32 = arith.constant 0 : i32
      %dma_start3A_33 = arith.constant 0 : i32
      %dma_start3A_34 = tpu.memref_slice %arg7[%dma_start3A, %dma_start3A_32, %dma_start3A_33] : memref<2x128x16xf32, #tpu.memory_space<vmem>> -> memref<1x128x16xf32, #tpu.memory_space<vmem>>
      %dma_start3A_35 = tpu.memref_squeeze %dma_start3A_34 : memref<1x128x16xf32, #tpu.memory_space<vmem>> -> memref<128x16xf32, #tpu.memory_space<vmem>>
      %dma_start3A_36 = arith.constant 0 : i32
      %dma_start3A_37 = tpu.memref_slice %arg2[%add3A_25, %dma_start3A_36] : memref<81920x16xf32, #tpu.memory_space<hbm>> -> memref<128x16xf32, #tpu.memory_space<hbm>>
      tpu.enqueue_dma source(%dma_start3A_37 : memref<128x16xf32, #tpu.memory_space<hbm>>) target(%dma_start3A_35 : memref<128x16xf32, #tpu.memory_space<vmem>>) target_semaphore(%arg9 : memref<!tpu.dma_semaphore, #tpu.memory_space<semaphore_mem>>)
      %scan3A_38 = arith.constant 0 : i32
      %scan3A_39 = arith.constant 0 : i32
      %scan3A_40 = arith.constant 10 : i32
      %scan3A_41 = arith.addi %scan3A_39, %scan3A_40 : i32
      %scan3A_42 = arith.constant 1 : i32
      %scan3A_43 = scf.for %scan3A_58 = %scan3A_39 to %scan3A_41 step %scan3A_42 iter_args(%scan3A_59 = %scan3A_38) -> (i32)  : i32 {
        %rem3A_60 = arith.constant 2 : i32
        %rem3A_61 = arith.remsi %scan3A_58, %rem3A_60 : i32
        %add3A_62 = arith.constant 1 : i32
        %add3A_63 = arith.addi %scan3A_58, %add3A_62 : i32
        %rem3A_64 = arith.constant 2 : i32
        %rem3A_65 = arith.remsi %add3A_63, %rem3A_64 : i32
        %ge3A = arith.constant 1 : i32
        %ge3A_66 = arith.cmpi sge, %scan3A_58, %ge3A : i32
        %convert_element_type3A_67 = arith.extui %ge3A_66 : i1 to i32
        %cond3A_68 = arith.constant 0 : i32
        %cond3A_69 = arith.cmpi ne, %convert_element_type3A_67, %cond3A_68 : i32
        scf.if %cond3A_69 {
          %sub3A = arith.constant 1 : i32
          %sub3A_105 = arith.subi %scan3A_58, %sub3A : i32
          %dma_wait3A_106 = arith.constant 0 : i32
          %dma_wait3A_107 = arith.constant 0 : i32
          %dma_wait3A_108 = tpu.memref_slice %arg7[%rem3A_65, %dma_wait3A_106, %dma_wait3A_107] : memref<2x128x16xf32, #tpu.memory_space<vmem>> -> memref<1x128x16xf32, #tpu.memory_space<vmem>>
          %dma_wait3A_109 = tpu.memref_squeeze %dma_wait3A_108 : memref<1x128x16xf32, #tpu.memory_space<vmem>> -> memref<128x16xf32, #tpu.memory_space<vmem>>
          %dma_wait3A_110 = arith.constant 0 : i32
          %dma_wait3A_111 = tpu.memref_slice %arg8[%sub3A_105, %dma_wait3A_110] : memref<10x128xi32, #tpu.memory_space<vmem>> -> memref<1x128xi32, #tpu.memory_space<vmem>>
          %dma_wait3A_112 = tpu.memref_squeeze %dma_wait3A_111 : memref<1x128xi32, #tpu.memory_space<vmem>> -> memref<128xi32, #tpu.memory_space<vmem>>
          %dma_wait3A_113 = arith.constant 0 : i32
          %dma_wait3A_114 = arith.constant 0 : i32
          %dma_wait3A_115 = tpu.memref_slice %arg6[%dma_wait3A_113, %dma_wait3A_114] : memref<122888x16xf32, #tpu.memory_space<vmem_shared>> -> memref<122888x16xf32, #tpu.memory_space<vmem_shared>>
          tpu.wait_indirect_dma semaphore(%arg10 : memref<!tpu.dma_semaphore, #tpu.memory_space<semaphore_mem>>) src(%dma_wait3A_109 : memref<128x16xf32, #tpu.memory_space<vmem>>) dst(%dma_wait3A_115 : memref<122888x16xf32, #tpu.memory_space<vmem_shared>>)
        } else {
        }
        %lt3A = arith.constant 9 : i32
        %lt3A_70 = arith.cmpi slt, %scan3A_58, %lt3A : i32
        %convert_element_type3A_71 = arith.extui %lt3A_70 : i1 to i32
        %cond3A_72 = arith.constant 0 : i32
        %cond3A_73 = arith.cmpi ne, %convert_element_type3A_71, %cond3A_72 : i32
        scf.if %cond3A_73 {
          %add3A_105 = arith.constant 1 : i32
          %add3A_106 = arith.addi %scan3A_58, %add3A_105 : i32
          %mul3A_107 = arith.constant 5120 : i32
          %mul3A_108 = arith.muli %arg1, %mul3A_107 : i32
          %mul3A_109 = arith.constant 10 : i32
          %mul3A_110 = arith.muli %scan3A_16, %mul3A_109 : i32
          %add3A_111 = arith.addi %mul3A_110, %add3A_106 : i32
          %mul3A_112 = arith.constant 128 : i32
          %mul3A_113 = arith.muli %add3A_111, %mul3A_112 : i32
          %add3A_114 = arith.addi %mul3A_108, %mul3A_113 : i32
          %dma_start3A_115 = arith.constant 0 : i32
          %dma_start3A_116 = arith.constant 0 : i32
          %dma_start3A_117 = tpu.memref_slice %arg7[%rem3A_65, %dma_start3A_115, %dma_start3A_116] : memref<2x128x16xf32, #tpu.memory_space<vmem>> -> memref<1x128x16xf32, #tpu.memory_space<vmem>>
          %dma_start3A_118 = tpu.memref_squeeze %dma_start3A_117 : memref<1x128x16xf32, #tpu.memory_space<vmem>> -> memref<128x16xf32, #tpu.memory_space<vmem>>
          %dma_start3A_119 = arith.constant 0 : i32
          %dma_start3A_120 = tpu.memref_slice %arg2[%add3A_114, %dma_start3A_119] : memref<81920x16xf32, #tpu.memory_space<hbm>> -> memref<128x16xf32, #tpu.memory_space<hbm>>
          %dma_start3A_121 = arith.constant 0 : i32
          %dma_start3A_122 = arith.constant 0 : i32
          %dma_start3A_123 = tpu.memref_slice %arg7[%rem3A_65, %dma_start3A_121, %dma_start3A_122] : memref<2x128x16xf32, #tpu.memory_space<vmem>> -> memref<1x128x16xf32, #tpu.memory_space<vmem>>
          %dma_start3A_124 = tpu.memref_squeeze %dma_start3A_123 : memref<1x128x16xf32, #tpu.memory_space<vmem>> -> memref<128x16xf32, #tpu.memory_space<vmem>>
          %dma_start3A_125 = arith.constant 0 : i32
          %dma_start3A_126 = tpu.memref_slice %arg2[%add3A_114, %dma_start3A_125] : memref<81920x16xf32, #tpu.memory_space<hbm>> -> memref<128x16xf32, #tpu.memory_space<hbm>>
          tpu.enqueue_dma source(%dma_start3A_126 : memref<128x16xf32, #tpu.memory_space<hbm>>) target(%dma_start3A_124 : memref<128x16xf32, #tpu.memory_space<vmem>>) target_semaphore(%arg9 : memref<!tpu.dma_semaphore, #tpu.memory_space<semaphore_mem>>)
        } else {
        }
        %mul3A_74 = arith.constant 5120 : i32
        %mul3A_75 = arith.muli %arg1, %mul3A_74 : i32
        %mul3A_76 = arith.constant 10 : i32
        %mul3A_77 = arith.muli %scan3A_16, %mul3A_76 : i32
        %add3A_78 = arith.addi %mul3A_77, %scan3A_58 : i32
        %mul3A_79 = arith.constant 128 : i32
        %mul3A_80 = arith.muli %add3A_78, %mul3A_79 : i32
        %add3A_81 = arith.addi %mul3A_75, %mul3A_80 : i32
        %dma_wait3A_82 = arith.constant 0 : i32
        %dma_wait3A_83 = arith.constant 0 : i32
        %dma_wait3A_84 = tpu.memref_slice %arg7[%rem3A_61, %dma_wait3A_82, %dma_wait3A_83] : memref<2x128x16xf32, #tpu.memory_space<vmem>> -> memref<1x128x16xf32, #tpu.memory_space<vmem>>
        %dma_wait3A_85 = tpu.memref_squeeze %dma_wait3A_84 : memref<1x128x16xf32, #tpu.memory_space<vmem>> -> memref<128x16xf32, #tpu.memory_space<vmem>>
        %dma_wait3A_86 = arith.constant 0 : i32
        %dma_wait3A_87 = tpu.memref_slice %arg2[%add3A_81, %dma_wait3A_86] : memref<81920x16xf32, #tpu.memory_space<hbm>> -> memref<128x16xf32, #tpu.memory_space<hbm>>
        %dma_wait3A_88 = arith.constant 0 : i32
        %dma_wait3A_89 = arith.constant 0 : i32
        %dma_wait3A_90 = tpu.memref_slice %arg7[%rem3A_61, %dma_wait3A_88, %dma_wait3A_89] : memref<2x128x16xf32, #tpu.memory_space<vmem>> -> memref<1x128x16xf32, #tpu.memory_space<vmem>>
        %dma_wait3A_91 = tpu.memref_squeeze %dma_wait3A_90 : memref<1x128x16xf32, #tpu.memory_space<vmem>> -> memref<128x16xf32, #tpu.memory_space<vmem>>
        %dma_wait3A_92 = arith.constant 0 : i32
        %dma_wait3A_93 = tpu.memref_slice %arg2[%add3A_81, %dma_wait3A_92] : memref<81920x16xf32, #tpu.memory_space<hbm>> -> memref<128x16xf32, #tpu.memory_space<hbm>>
        tpu.wait_dma2 semaphore(%arg9 : memref<!tpu.dma_semaphore, #tpu.memory_space<semaphore_mem>>) src(%dma_wait3A_93 : memref<128x16xf32, #tpu.memory_space<hbm>>) dst(%dma_wait3A_91 : memref<128x16xf32, #tpu.memory_space<vmem>>)
        %dma_start3A_94 = arith.constant 0 : i32
        %dma_start3A_95 = arith.constant 0 : i32
        %dma_start3A_96 = tpu.memref_slice %arg7[%rem3A_61, %dma_start3A_94, %dma_start3A_95] : memref<2x128x16xf32, #tpu.memory_space<vmem>> -> memref<1x128x16xf32, #tpu.memory_space<vmem>>
        %dma_start3A_97 = tpu.memref_squeeze %dma_start3A_96 : memref<1x128x16xf32, #tpu.memory_space<vmem>> -> memref<128x16xf32, #tpu.memory_space<vmem>>
        %dma_start3A_98 = arith.constant 0 : i32
        %dma_start3A_99 = tpu.memref_slice %arg8[%scan3A_58, %dma_start3A_98] : memref<10x128xi32, #tpu.memory_space<vmem>> -> memref<1x128xi32, #tpu.memory_space<vmem>>
        %dma_start3A_100 = tpu.memref_squeeze %dma_start3A_99 : memref<1x128xi32, #tpu.memory_space<vmem>> -> memref<128xi32, #tpu.memory_space<vmem>>
        %dma_start3A_101 = arith.constant 0 : i32
        %dma_start3A_102 = arith.constant 0 : i32
        %dma_start3A_103 = tpu.memref_slice %arg6[%dma_start3A_101, %dma_start3A_102] : memref<122888x16xf32, #tpu.memory_space<vmem_shared>> -> memref<122888x16xf32, #tpu.memory_space<vmem_shared>>
        tpu.enqueue_indirect_dma source(%dma_start3A_97 : memref<128x16xf32, #tpu.memory_space<vmem>>) target(%dma_start3A_103 : memref<122888x16xf32, #tpu.memory_space<vmem_shared>>) offsets(%dma_start3A_100 : memref<128xi32, #tpu.memory_space<vmem>>) semaphore(%arg10 : memref<!tpu.dma_semaphore, #tpu.memory_space<semaphore_mem>>) {add = true}
        %scan3A_104 = arith.constant 0 : i32
        scf.yield %scan3A_104 : i32
      }
      %scan3A_44 = arith.constant 10 : i32
      %rem3A = arith.constant 9 : i32
      %rem3A_45 = arith.constant 2 : i32
      %rem3A_46 = arith.remsi %rem3A, %rem3A_45 : i32
      %dma_wait3A = arith.constant 9 : i32
      %dma_wait3A_47 = arith.constant 0 : i32
      %dma_wait3A_48 = arith.constant 0 : i32
      %dma_wait3A_49 = tpu.memref_slice %arg7[%rem3A_46, %dma_wait3A_47, %dma_wait3A_48] : memref<2x128x16xf32, #tpu.memory_space<vmem>> -> memref<1x128x16xf32, #tpu.memory_space<vmem>>
      %dma_wait3A_50 = tpu.memref_squeeze %dma_wait3A_49 : memref<1x128x16xf32, #tpu.memory_space<vmem>> -> memref<128x16xf32, #tpu.memory_space<vmem>>
      %dma_wait3A_51 = arith.constant 0 : i32
      %dma_wait3A_52 = tpu.memref_slice %arg8[%dma_wait3A, %dma_wait3A_51] : memref<10x128xi32, #tpu.memory_space<vmem>> -> memref<1x128xi32, #tpu.memory_space<vmem>>
      %dma_wait3A_53 = tpu.memref_squeeze %dma_wait3A_52 : memref<1x128xi32, #tpu.memory_space<vmem>> -> memref<128xi32, #tpu.memory_space<vmem>>
      %dma_wait3A_54 = arith.constant 0 : i32
      %dma_wait3A_55 = arith.constant 0 : i32
      %dma_wait3A_56 = tpu.memref_slice %arg6[%dma_wait3A_54, %dma_wait3A_55] : memref<122888x16xf32, #tpu.memory_space<vmem_shared>> -> memref<122888x16xf32, #tpu.memory_space<vmem_shared>>
      tpu.wait_indirect_dma semaphore(%arg10 : memref<!tpu.dma_semaphore, #tpu.memory_space<semaphore_mem>>) src(%dma_wait3A_50 : memref<128x16xf32, #tpu.memory_space<vmem>>) dst(%dma_wait3A_56 : memref<122888x16xf32, #tpu.memory_space<vmem_shared>>)
      %scan3A_57 = arith.constant 0 : i32
      scf.yield %scan3A_57 : i32
    }
    %scan3A_10 = arith.constant 4 : i32
    %barrier3A_11 = arith.constant 0 : index
    tpu.barrier barrier_id(%barrier3A_11)
    %mul3A_12 = arith.constant 7680 : i32
    %mul3A_13 = arith.muli %arg1, %mul3A_12 : i32
    %mul3A_14 = arith.constant 7680 : i32
    %mul3A_15 = arith.muli %arg1, %mul3A_14 : i32
    "tpu.region"() ({
      %run_scoped3A = tpu.sem_alloc : memref<!tpu.dma_semaphore, #tpu.memory_space<semaphore_mem>>
      %dma_start3A = arith.constant 0 : i32
      %dma_start3A_16 = tpu.memref_slice %arg5[%arg0, %mul3A_15, %dma_start3A] : memref<2x122880x16xf32, #tpu.memory_space<hbm>> -> memref<1x7680x16xf32, #tpu.memory_space<hbm>>
      %dma_start3A_17 = tpu.memref_squeeze %dma_start3A_16 : memref<1x7680x16xf32, #tpu.memory_space<hbm>> -> memref<7680x16xf32, #tpu.memory_space<hbm>>
      %dma_start3A_18 = arith.constant 0 : i32
      %dma_start3A_19 = tpu.memref_slice %arg6[%mul3A_13, %dma_start3A_18] : memref<122888x16xf32, #tpu.memory_space<vmem_shared>> -> memref<7680x16xf32, #tpu.memory_space<vmem_shared>>
      tpu.enqueue_dma source(%dma_start3A_19 : memref<7680x16xf32, #tpu.memory_space<vmem_shared>>) target(%dma_start3A_17 : memref<7680x16xf32, #tpu.memory_space<hbm>>) target_semaphore(%run_scoped3A : memref<!tpu.dma_semaphore, #tpu.memory_space<semaphore_mem>>)
      %dma_wait3A = arith.constant 0 : i32
      %dma_wait3A_20 = tpu.memref_slice %arg5[%arg0, %mul3A_15, %dma_wait3A] : memref<2x122880x16xf32, #tpu.memory_space<hbm>> -> memref<1x7680x16xf32, #tpu.memory_space<hbm>>
      %dma_wait3A_21 = tpu.memref_squeeze %dma_wait3A_20 : memref<1x7680x16xf32, #tpu.memory_space<hbm>> -> memref<7680x16xf32, #tpu.memory_space<hbm>>
      %dma_wait3A_22 = arith.constant 0 : i32
      %dma_wait3A_23 = tpu.memref_slice %arg6[%mul3A_13, %dma_wait3A_22] : memref<122888x16xf32, #tpu.memory_space<vmem_shared>> -> memref<7680x16xf32, #tpu.memory_space<vmem_shared>>
      tpu.wait_dma2 semaphore(%run_scoped3A : memref<!tpu.dma_semaphore, #tpu.memory_space<semaphore_mem>>) src(%dma_wait3A_23 : memref<7680x16xf32, #tpu.memory_space<vmem_shared>>) dst(%dma_wait3A_21 : memref<7680x16xf32, #tpu.memory_space<hbm>>)
      tpu.yield
    }) : () -> ()
    return
  }
}

#map = affine_map<(d0, d1) -> (0, 0)>
#map1 = affine_map<(d0, d1) -> (0, 0, 0)>
module attributes {stable_mosaic.version = 14 : i64} {
  func.func @_gather_body(%arg0: i32, %arg1: i32, %arg2: memref<245760x32xf32, #tpu.memory_space<hbm>>, %arg3: memref<32x20x128xi32, #tpu.memory_space<hbm>>, %arg4: memref<81920x32xf32, #tpu.memory_space<hbm>>, %arg5: memref<20x128xi32, #tpu.memory_space<vmem>>, %arg6: memref<2560x32xf32, #tpu.memory_space<vmem>>, %arg7: memref<!tpu.dma_semaphore, #tpu.memory_space<semaphore_mem>>) attributes {dimension_semantics = [#tpu.dimension_semantics<core_parallel>, #tpu.dimension_semantics<subcore_parallel>], iteration_bounds = array<i64: 2, 16>, scalar_prefetch = 0 : i64, scratch_operands = 3 : i64, tpu.core_type = #tpu.core_type<sc_vector_subcore>, window_params = [{transform_indices = #map}, {transform_indices = #map1}, {transform_indices = #map}]} {
    %mul3A = arith.constant 16 : i32
    %mul3A_0 = arith.muli %arg0, %mul3A : i32
    %add3A = arith.addi %mul3A_0, %arg1 : i32
    "tpu.region"() ({
      %run_scoped3A = tpu.sem_alloc : memref<!tpu.dma_semaphore, #tpu.memory_space<semaphore_mem>>
      %dma_start3A_401 = arith.constant 0 : i32
      %dma_start3A_402 = arith.constant 0 : i32
      %dma_start3A_403 = tpu.memref_slice %arg3[%add3A, %dma_start3A_401, %dma_start3A_402] : memref<32x20x128xi32, #tpu.memory_space<hbm>> -> memref<1x20x128xi32, #tpu.memory_space<hbm>>
      %dma_start3A_404 = tpu.memref_squeeze %dma_start3A_403 : memref<1x20x128xi32, #tpu.memory_space<hbm>> -> memref<20x128xi32, #tpu.memory_space<hbm>>
      %dma_start3A_405 = arith.constant 0 : i32
      %dma_start3A_406 = arith.constant 0 : i32
      %dma_start3A_407 = tpu.memref_slice %arg3[%add3A, %dma_start3A_405, %dma_start3A_406] : memref<32x20x128xi32, #tpu.memory_space<hbm>> -> memref<1x20x128xi32, #tpu.memory_space<hbm>>
      %dma_start3A_408 = tpu.memref_squeeze %dma_start3A_407 : memref<1x20x128xi32, #tpu.memory_space<hbm>> -> memref<20x128xi32, #tpu.memory_space<hbm>>
      tpu.enqueue_dma source(%dma_start3A_408 : memref<20x128xi32, #tpu.memory_space<hbm>>) target(%arg5 : memref<20x128xi32, #tpu.memory_space<vmem>>) target_semaphore(%run_scoped3A : memref<!tpu.dma_semaphore, #tpu.memory_space<semaphore_mem>>)
      %dma_wait3A_409 = arith.constant 0 : i32
      %dma_wait3A_410 = arith.constant 0 : i32
      %dma_wait3A_411 = tpu.memref_slice %arg3[%add3A, %dma_wait3A_409, %dma_wait3A_410] : memref<32x20x128xi32, #tpu.memory_space<hbm>> -> memref<1x20x128xi32, #tpu.memory_space<hbm>>
      %dma_wait3A_412 = tpu.memref_squeeze %dma_wait3A_411 : memref<1x20x128xi32, #tpu.memory_space<hbm>> -> memref<20x128xi32, #tpu.memory_space<hbm>>
      %dma_wait3A_413 = arith.constant 0 : i32
      %dma_wait3A_414 = arith.constant 0 : i32
      %dma_wait3A_415 = tpu.memref_slice %arg3[%add3A, %dma_wait3A_413, %dma_wait3A_414] : memref<32x20x128xi32, #tpu.memory_space<hbm>> -> memref<1x20x128xi32, #tpu.memory_space<hbm>>
      %dma_wait3A_416 = tpu.memref_squeeze %dma_wait3A_415 : memref<1x20x128xi32, #tpu.memory_space<hbm>> -> memref<20x128xi32, #tpu.memory_space<hbm>>
      tpu.wait_dma2 semaphore(%run_scoped3A : memref<!tpu.dma_semaphore, #tpu.memory_space<semaphore_mem>>) src(%dma_wait3A_416 : memref<20x128xi32, #tpu.memory_space<hbm>>) dst(%arg5 : memref<20x128xi32, #tpu.memory_space<vmem>>)
      tpu.yield
    }) : () -> ()
    %dma_start3A = arith.constant 0 : i32
    %dma_start3A_1 = arith.constant 0 : i32
    %dma_start3A_2 = arith.constant 0 : i32
    %dma_start3A_3 = tpu.memref_slice %arg6[%dma_start3A_1, %dma_start3A_2] : memref<2560x32xf32, #tpu.memory_space<vmem>> -> memref<128x32xf32, #tpu.memory_space<vmem>>
    %dma_start3A_4 = arith.constant 0 : i32
    %dma_start3A_5 = tpu.memref_slice %arg5[%dma_start3A, %dma_start3A_4] : memref<20x128xi32, #tpu.memory_space<vmem>> -> memref<1x128xi32, #tpu.memory_space<vmem>>
    %dma_start3A_6 = tpu.memref_squeeze %dma_start3A_5 : memref<1x128xi32, #tpu.memory_space<vmem>> -> memref<128xi32, #tpu.memory_space<vmem>>
    %dma_start3A_7 = arith.constant 0 : i32
    %dma_start3A_8 = arith.constant 0 : i32
    %dma_start3A_9 = tpu.memref_slice %arg2[%dma_start3A_7, %dma_start3A_8] : memref<245760x32xf32, #tpu.memory_space<hbm>> -> memref<245760x32xf32, #tpu.memory_space<hbm>>
    tpu.enqueue_indirect_dma source(%dma_start3A_9 : memref<245760x32xf32, #tpu.memory_space<hbm>>) target(%dma_start3A_3 : memref<128x32xf32, #tpu.memory_space<vmem>>) offsets(%dma_start3A_6 : memref<128xi32, #tpu.memory_space<vmem>>) semaphore(%arg7 : memref<!tpu.dma_semaphore, #tpu.memory_space<semaphore_mem>>)
    %dma_start3A_10 = arith.constant 1 : i32
    %dma_start3A_11 = arith.constant 128 : i32
    %dma_start3A_12 = arith.constant 0 : i32
    %dma_start3A_13 = tpu.memref_slice %arg6[%dma_start3A_11, %dma_start3A_12] : memref<2560x32xf32, #tpu.memory_space<vmem>> -> memref<128x32xf32, #tpu.memory_space<vmem>>
    %dma_start3A_14 = arith.constant 0 : i32
    %dma_start3A_15 = tpu.memref_slice %arg5[%dma_start3A_10, %dma_start3A_14] : memref<20x128xi32, #tpu.memory_space<vmem>> -> memref<1x128xi32, #tpu.memory_space<vmem>>
    %dma_start3A_16 = tpu.memref_squeeze %dma_start3A_15 : memref<1x128xi32, #tpu.memory_space<vmem>> -> memref<128xi32, #tpu.memory_space<vmem>>
    %dma_start3A_17 = arith.constant 0 : i32
    %dma_start3A_18 = arith.constant 0 : i32
    %dma_start3A_19 = tpu.memref_slice %arg2[%dma_start3A_17, %dma_start3A_18] : memref<245760x32xf32, #tpu.memory_space<hbm>> -> memref<245760x32xf32, #tpu.memory_space<hbm>>
    tpu.enqueue_indirect_dma source(%dma_start3A_19 : memref<245760x32xf32, #tpu.memory_space<hbm>>) target(%dma_start3A_13 : memref<128x32xf32, #tpu.memory_space<vmem>>) offsets(%dma_start3A_16 : memref<128xi32, #tpu.memory_space<vmem>>) semaphore(%arg7 : memref<!tpu.dma_semaphore, #tpu.memory_space<semaphore_mem>>)
    %dma_start3A_20 = arith.constant 2 : i32
    %dma_start3A_21 = arith.constant 256 : i32
    %dma_start3A_22 = arith.constant 0 : i32
    %dma_start3A_23 = tpu.memref_slice %arg6[%dma_start3A_21, %dma_start3A_22] : memref<2560x32xf32, #tpu.memory_space<vmem>> -> memref<128x32xf32, #tpu.memory_space<vmem>>
    %dma_start3A_24 = arith.constant 0 : i32
    %dma_start3A_25 = tpu.memref_slice %arg5[%dma_start3A_20, %dma_start3A_24] : memref<20x128xi32, #tpu.memory_space<vmem>> -> memref<1x128xi32, #tpu.memory_space<vmem>>
    %dma_start3A_26 = tpu.memref_squeeze %dma_start3A_25 : memref<1x128xi32, #tpu.memory_space<vmem>> -> memref<128xi32, #tpu.memory_space<vmem>>
    %dma_start3A_27 = arith.constant 0 : i32
    %dma_start3A_28 = arith.constant 0 : i32
    %dma_start3A_29 = tpu.memref_slice %arg2[%dma_start3A_27, %dma_start3A_28] : memref<245760x32xf32, #tpu.memory_space<hbm>> -> memref<245760x32xf32, #tpu.memory_space<hbm>>
    tpu.enqueue_indirect_dma source(%dma_start3A_29 : memref<245760x32xf32, #tpu.memory_space<hbm>>) target(%dma_start3A_23 : memref<128x32xf32, #tpu.memory_space<vmem>>) offsets(%dma_start3A_26 : memref<128xi32, #tpu.memory_space<vmem>>) semaphore(%arg7 : memref<!tpu.dma_semaphore, #tpu.memory_space<semaphore_mem>>)
    %dma_start3A_30 = arith.constant 3 : i32
    %dma_start3A_31 = arith.constant 384 : i32
    %dma_start3A_32 = arith.constant 0 : i32
    %dma_start3A_33 = tpu.memref_slice %arg6[%dma_start3A_31, %dma_start3A_32] : memref<2560x32xf32, #tpu.memory_space<vmem>> -> memref<128x32xf32, #tpu.memory_space<vmem>>
    %dma_start3A_34 = arith.constant 0 : i32
    %dma_start3A_35 = tpu.memref_slice %arg5[%dma_start3A_30, %dma_start3A_34] : memref<20x128xi32, #tpu.memory_space<vmem>> -> memref<1x128xi32, #tpu.memory_space<vmem>>
    %dma_start3A_36 = tpu.memref_squeeze %dma_start3A_35 : memref<1x128xi32, #tpu.memory_space<vmem>> -> memref<128xi32, #tpu.memory_space<vmem>>
    %dma_start3A_37 = arith.constant 0 : i32
    %dma_start3A_38 = arith.constant 0 : i32
    %dma_start3A_39 = tpu.memref_slice %arg2[%dma_start3A_37, %dma_start3A_38] : memref<245760x32xf32, #tpu.memory_space<hbm>> -> memref<245760x32xf32, #tpu.memory_space<hbm>>
    tpu.enqueue_indirect_dma source(%dma_start3A_39 : memref<245760x32xf32, #tpu.memory_space<hbm>>) target(%dma_start3A_33 : memref<128x32xf32, #tpu.memory_space<vmem>>) offsets(%dma_start3A_36 : memref<128xi32, #tpu.memory_space<vmem>>) semaphore(%arg7 : memref<!tpu.dma_semaphore, #tpu.memory_space<semaphore_mem>>)
    %dma_start3A_40 = arith.constant 4 : i32
    %dma_start3A_41 = arith.constant 512 : i32
    %dma_start3A_42 = arith.constant 0 : i32
    %dma_start3A_43 = tpu.memref_slice %arg6[%dma_start3A_41, %dma_start3A_42] : memref<2560x32xf32, #tpu.memory_space<vmem>> -> memref<128x32xf32, #tpu.memory_space<vmem>>
    %dma_start3A_44 = arith.constant 0 : i32
    %dma_start3A_45 = tpu.memref_slice %arg5[%dma_start3A_40, %dma_start3A_44] : memref<20x128xi32, #tpu.memory_space<vmem>> -> memref<1x128xi32, #tpu.memory_space<vmem>>
    %dma_start3A_46 = tpu.memref_squeeze %dma_start3A_45 : memref<1x128xi32, #tpu.memory_space<vmem>> -> memref<128xi32, #tpu.memory_space<vmem>>
    %dma_start3A_47 = arith.constant 0 : i32
    %dma_start3A_48 = arith.constant 0 : i32
    %dma_start3A_49 = tpu.memref_slice %arg2[%dma_start3A_47, %dma_start3A_48] : memref<245760x32xf32, #tpu.memory_space<hbm>> -> memref<245760x32xf32, #tpu.memory_space<hbm>>
    tpu.enqueue_indirect_dma source(%dma_start3A_49 : memref<245760x32xf32, #tpu.memory_space<hbm>>) target(%dma_start3A_43 : memref<128x32xf32, #tpu.memory_space<vmem>>) offsets(%dma_start3A_46 : memref<128xi32, #tpu.memory_space<vmem>>) semaphore(%arg7 : memref<!tpu.dma_semaphore, #tpu.memory_space<semaphore_mem>>)
    %dma_start3A_50 = arith.constant 5 : i32
    %dma_start3A_51 = arith.constant 640 : i32
    %dma_start3A_52 = arith.constant 0 : i32
    %dma_start3A_53 = tpu.memref_slice %arg6[%dma_start3A_51, %dma_start3A_52] : memref<2560x32xf32, #tpu.memory_space<vmem>> -> memref<128x32xf32, #tpu.memory_space<vmem>>
    %dma_start3A_54 = arith.constant 0 : i32
    %dma_start3A_55 = tpu.memref_slice %arg5[%dma_start3A_50, %dma_start3A_54] : memref<20x128xi32, #tpu.memory_space<vmem>> -> memref<1x128xi32, #tpu.memory_space<vmem>>
    %dma_start3A_56 = tpu.memref_squeeze %dma_start3A_55 : memref<1x128xi32, #tpu.memory_space<vmem>> -> memref<128xi32, #tpu.memory_space<vmem>>
    %dma_start3A_57 = arith.constant 0 : i32
    %dma_start3A_58 = arith.constant 0 : i32
    %dma_start3A_59 = tpu.memref_slice %arg2[%dma_start3A_57, %dma_start3A_58] : memref<245760x32xf32, #tpu.memory_space<hbm>> -> memref<245760x32xf32, #tpu.memory_space<hbm>>
    tpu.enqueue_indirect_dma source(%dma_start3A_59 : memref<245760x32xf32, #tpu.memory_space<hbm>>) target(%dma_start3A_53 : memref<128x32xf32, #tpu.memory_space<vmem>>) offsets(%dma_start3A_56 : memref<128xi32, #tpu.memory_space<vmem>>) semaphore(%arg7 : memref<!tpu.dma_semaphore, #tpu.memory_space<semaphore_mem>>)
    %dma_start3A_60 = arith.constant 6 : i32
    %dma_start3A_61 = arith.constant 768 : i32
    %dma_start3A_62 = arith.constant 0 : i32
    %dma_start3A_63 = tpu.memref_slice %arg6[%dma_start3A_61, %dma_start3A_62] : memref<2560x32xf32, #tpu.memory_space<vmem>> -> memref<128x32xf32, #tpu.memory_space<vmem>>
    %dma_start3A_64 = arith.constant 0 : i32
    %dma_start3A_65 = tpu.memref_slice %arg5[%dma_start3A_60, %dma_start3A_64] : memref<20x128xi32, #tpu.memory_space<vmem>> -> memref<1x128xi32, #tpu.memory_space<vmem>>
    %dma_start3A_66 = tpu.memref_squeeze %dma_start3A_65 : memref<1x128xi32, #tpu.memory_space<vmem>> -> memref<128xi32, #tpu.memory_space<vmem>>
    %dma_start3A_67 = arith.constant 0 : i32
    %dma_start3A_68 = arith.constant 0 : i32
    %dma_start3A_69 = tpu.memref_slice %arg2[%dma_start3A_67, %dma_start3A_68] : memref<245760x32xf32, #tpu.memory_space<hbm>> -> memref<245760x32xf32, #tpu.memory_space<hbm>>
    tpu.enqueue_indirect_dma source(%dma_start3A_69 : memref<245760x32xf32, #tpu.memory_space<hbm>>) target(%dma_start3A_63 : memref<128x32xf32, #tpu.memory_space<vmem>>) offsets(%dma_start3A_66 : memref<128xi32, #tpu.memory_space<vmem>>) semaphore(%arg7 : memref<!tpu.dma_semaphore, #tpu.memory_space<semaphore_mem>>)
    %dma_start3A_70 = arith.constant 7 : i32
    %dma_start3A_71 = arith.constant 896 : i32
    %dma_start3A_72 = arith.constant 0 : i32
    %dma_start3A_73 = tpu.memref_slice %arg6[%dma_start3A_71, %dma_start3A_72] : memref<2560x32xf32, #tpu.memory_space<vmem>> -> memref<128x32xf32, #tpu.memory_space<vmem>>
    %dma_start3A_74 = arith.constant 0 : i32
    %dma_start3A_75 = tpu.memref_slice %arg5[%dma_start3A_70, %dma_start3A_74] : memref<20x128xi32, #tpu.memory_space<vmem>> -> memref<1x128xi32, #tpu.memory_space<vmem>>
    %dma_start3A_76 = tpu.memref_squeeze %dma_start3A_75 : memref<1x128xi32, #tpu.memory_space<vmem>> -> memref<128xi32, #tpu.memory_space<vmem>>
    %dma_start3A_77 = arith.constant 0 : i32
    %dma_start3A_78 = arith.constant 0 : i32
    %dma_start3A_79 = tpu.memref_slice %arg2[%dma_start3A_77, %dma_start3A_78] : memref<245760x32xf32, #tpu.memory_space<hbm>> -> memref<245760x32xf32, #tpu.memory_space<hbm>>
    tpu.enqueue_indirect_dma source(%dma_start3A_79 : memref<245760x32xf32, #tpu.memory_space<hbm>>) target(%dma_start3A_73 : memref<128x32xf32, #tpu.memory_space<vmem>>) offsets(%dma_start3A_76 : memref<128xi32, #tpu.memory_space<vmem>>) semaphore(%arg7 : memref<!tpu.dma_semaphore, #tpu.memory_space<semaphore_mem>>)
    %dma_start3A_80 = arith.constant 8 : i32
    %dma_start3A_81 = arith.constant 1024 : i32
    %dma_start3A_82 = arith.constant 0 : i32
    %dma_start3A_83 = tpu.memref_slice %arg6[%dma_start3A_81, %dma_start3A_82] : memref<2560x32xf32, #tpu.memory_space<vmem>> -> memref<128x32xf32, #tpu.memory_space<vmem>>
    %dma_start3A_84 = arith.constant 0 : i32
    %dma_start3A_85 = tpu.memref_slice %arg5[%dma_start3A_80, %dma_start3A_84] : memref<20x128xi32, #tpu.memory_space<vmem>> -> memref<1x128xi32, #tpu.memory_space<vmem>>
    %dma_start3A_86 = tpu.memref_squeeze %dma_start3A_85 : memref<1x128xi32, #tpu.memory_space<vmem>> -> memref<128xi32, #tpu.memory_space<vmem>>
    %dma_start3A_87 = arith.constant 0 : i32
    %dma_start3A_88 = arith.constant 0 : i32
    %dma_start3A_89 = tpu.memref_slice %arg2[%dma_start3A_87, %dma_start3A_88] : memref<245760x32xf32, #tpu.memory_space<hbm>> -> memref<245760x32xf32, #tpu.memory_space<hbm>>
    tpu.enqueue_indirect_dma source(%dma_start3A_89 : memref<245760x32xf32, #tpu.memory_space<hbm>>) target(%dma_start3A_83 : memref<128x32xf32, #tpu.memory_space<vmem>>) offsets(%dma_start3A_86 : memref<128xi32, #tpu.memory_space<vmem>>) semaphore(%arg7 : memref<!tpu.dma_semaphore, #tpu.memory_space<semaphore_mem>>)
    %dma_start3A_90 = arith.constant 9 : i32
    %dma_start3A_91 = arith.constant 1152 : i32
    %dma_start3A_92 = arith.constant 0 : i32
    %dma_start3A_93 = tpu.memref_slice %arg6[%dma_start3A_91, %dma_start3A_92] : memref<2560x32xf32, #tpu.memory_space<vmem>> -> memref<128x32xf32, #tpu.memory_space<vmem>>
    %dma_start3A_94 = arith.constant 0 : i32
    %dma_start3A_95 = tpu.memref_slice %arg5[%dma_start3A_90, %dma_start3A_94] : memref<20x128xi32, #tpu.memory_space<vmem>> -> memref<1x128xi32, #tpu.memory_space<vmem>>
    %dma_start3A_96 = tpu.memref_squeeze %dma_start3A_95 : memref<1x128xi32, #tpu.memory_space<vmem>> -> memref<128xi32, #tpu.memory_space<vmem>>
    %dma_start3A_97 = arith.constant 0 : i32
    %dma_start3A_98 = arith.constant 0 : i32
    %dma_start3A_99 = tpu.memref_slice %arg2[%dma_start3A_97, %dma_start3A_98] : memref<245760x32xf32, #tpu.memory_space<hbm>> -> memref<245760x32xf32, #tpu.memory_space<hbm>>
    tpu.enqueue_indirect_dma source(%dma_start3A_99 : memref<245760x32xf32, #tpu.memory_space<hbm>>) target(%dma_start3A_93 : memref<128x32xf32, #tpu.memory_space<vmem>>) offsets(%dma_start3A_96 : memref<128xi32, #tpu.memory_space<vmem>>) semaphore(%arg7 : memref<!tpu.dma_semaphore, #tpu.memory_space<semaphore_mem>>)
    %dma_start3A_100 = arith.constant 10 : i32
    %dma_start3A_101 = arith.constant 1280 : i32
    %dma_start3A_102 = arith.constant 0 : i32
    %dma_start3A_103 = tpu.memref_slice %arg6[%dma_start3A_101, %dma_start3A_102] : memref<2560x32xf32, #tpu.memory_space<vmem>> -> memref<128x32xf32, #tpu.memory_space<vmem>>
    %dma_start3A_104 = arith.constant 0 : i32
    %dma_start3A_105 = tpu.memref_slice %arg5[%dma_start3A_100, %dma_start3A_104] : memref<20x128xi32, #tpu.memory_space<vmem>> -> memref<1x128xi32, #tpu.memory_space<vmem>>
    %dma_start3A_106 = tpu.memref_squeeze %dma_start3A_105 : memref<1x128xi32, #tpu.memory_space<vmem>> -> memref<128xi32, #tpu.memory_space<vmem>>
    %dma_start3A_107 = arith.constant 0 : i32
    %dma_start3A_108 = arith.constant 0 : i32
    %dma_start3A_109 = tpu.memref_slice %arg2[%dma_start3A_107, %dma_start3A_108] : memref<245760x32xf32, #tpu.memory_space<hbm>> -> memref<245760x32xf32, #tpu.memory_space<hbm>>
    tpu.enqueue_indirect_dma source(%dma_start3A_109 : memref<245760x32xf32, #tpu.memory_space<hbm>>) target(%dma_start3A_103 : memref<128x32xf32, #tpu.memory_space<vmem>>) offsets(%dma_start3A_106 : memref<128xi32, #tpu.memory_space<vmem>>) semaphore(%arg7 : memref<!tpu.dma_semaphore, #tpu.memory_space<semaphore_mem>>)
    %dma_start3A_110 = arith.constant 11 : i32
    %dma_start3A_111 = arith.constant 1408 : i32
    %dma_start3A_112 = arith.constant 0 : i32
    %dma_start3A_113 = tpu.memref_slice %arg6[%dma_start3A_111, %dma_start3A_112] : memref<2560x32xf32, #tpu.memory_space<vmem>> -> memref<128x32xf32, #tpu.memory_space<vmem>>
    %dma_start3A_114 = arith.constant 0 : i32
    %dma_start3A_115 = tpu.memref_slice %arg5[%dma_start3A_110, %dma_start3A_114] : memref<20x128xi32, #tpu.memory_space<vmem>> -> memref<1x128xi32, #tpu.memory_space<vmem>>
    %dma_start3A_116 = tpu.memref_squeeze %dma_start3A_115 : memref<1x128xi32, #tpu.memory_space<vmem>> -> memref<128xi32, #tpu.memory_space<vmem>>
    %dma_start3A_117 = arith.constant 0 : i32
    %dma_start3A_118 = arith.constant 0 : i32
    %dma_start3A_119 = tpu.memref_slice %arg2[%dma_start3A_117, %dma_start3A_118] : memref<245760x32xf32, #tpu.memory_space<hbm>> -> memref<245760x32xf32, #tpu.memory_space<hbm>>
    tpu.enqueue_indirect_dma source(%dma_start3A_119 : memref<245760x32xf32, #tpu.memory_space<hbm>>) target(%dma_start3A_113 : memref<128x32xf32, #tpu.memory_space<vmem>>) offsets(%dma_start3A_116 : memref<128xi32, #tpu.memory_space<vmem>>) semaphore(%arg7 : memref<!tpu.dma_semaphore, #tpu.memory_space<semaphore_mem>>)
    %dma_start3A_120 = arith.constant 12 : i32
    %dma_start3A_121 = arith.constant 1536 : i32
    %dma_start3A_122 = arith.constant 0 : i32
    %dma_start3A_123 = tpu.memref_slice %arg6[%dma_start3A_121, %dma_start3A_122] : memref<2560x32xf32, #tpu.memory_space<vmem>> -> memref<128x32xf32, #tpu.memory_space<vmem>>
    %dma_start3A_124 = arith.constant 0 : i32
    %dma_start3A_125 = tpu.memref_slice %arg5[%dma_start3A_120, %dma_start3A_124] : memref<20x128xi32, #tpu.memory_space<vmem>> -> memref<1x128xi32, #tpu.memory_space<vmem>>
    %dma_start3A_126 = tpu.memref_squeeze %dma_start3A_125 : memref<1x128xi32, #tpu.memory_space<vmem>> -> memref<128xi32, #tpu.memory_space<vmem>>
    %dma_start3A_127 = arith.constant 0 : i32
    %dma_start3A_128 = arith.constant 0 : i32
    %dma_start3A_129 = tpu.memref_slice %arg2[%dma_start3A_127, %dma_start3A_128] : memref<245760x32xf32, #tpu.memory_space<hbm>> -> memref<245760x32xf32, #tpu.memory_space<hbm>>
    tpu.enqueue_indirect_dma source(%dma_start3A_129 : memref<245760x32xf32, #tpu.memory_space<hbm>>) target(%dma_start3A_123 : memref<128x32xf32, #tpu.memory_space<vmem>>) offsets(%dma_start3A_126 : memref<128xi32, #tpu.memory_space<vmem>>) semaphore(%arg7 : memref<!tpu.dma_semaphore, #tpu.memory_space<semaphore_mem>>)
    %dma_start3A_130 = arith.constant 13 : i32
    %dma_start3A_131 = arith.constant 1664 : i32
    %dma_start3A_132 = arith.constant 0 : i32
    %dma_start3A_133 = tpu.memref_slice %arg6[%dma_start3A_131, %dma_start3A_132] : memref<2560x32xf32, #tpu.memory_space<vmem>> -> memref<128x32xf32, #tpu.memory_space<vmem>>
    %dma_start3A_134 = arith.constant 0 : i32
    %dma_start3A_135 = tpu.memref_slice %arg5[%dma_start3A_130, %dma_start3A_134] : memref<20x128xi32, #tpu.memory_space<vmem>> -> memref<1x128xi32, #tpu.memory_space<vmem>>
    %dma_start3A_136 = tpu.memref_squeeze %dma_start3A_135 : memref<1x128xi32, #tpu.memory_space<vmem>> -> memref<128xi32, #tpu.memory_space<vmem>>
    %dma_start3A_137 = arith.constant 0 : i32
    %dma_start3A_138 = arith.constant 0 : i32
    %dma_start3A_139 = tpu.memref_slice %arg2[%dma_start3A_137, %dma_start3A_138] : memref<245760x32xf32, #tpu.memory_space<hbm>> -> memref<245760x32xf32, #tpu.memory_space<hbm>>
    tpu.enqueue_indirect_dma source(%dma_start3A_139 : memref<245760x32xf32, #tpu.memory_space<hbm>>) target(%dma_start3A_133 : memref<128x32xf32, #tpu.memory_space<vmem>>) offsets(%dma_start3A_136 : memref<128xi32, #tpu.memory_space<vmem>>) semaphore(%arg7 : memref<!tpu.dma_semaphore, #tpu.memory_space<semaphore_mem>>)
    %dma_start3A_140 = arith.constant 14 : i32
    %dma_start3A_141 = arith.constant 1792 : i32
    %dma_start3A_142 = arith.constant 0 : i32
    %dma_start3A_143 = tpu.memref_slice %arg6[%dma_start3A_141, %dma_start3A_142] : memref<2560x32xf32, #tpu.memory_space<vmem>> -> memref<128x32xf32, #tpu.memory_space<vmem>>
    %dma_start3A_144 = arith.constant 0 : i32
    %dma_start3A_145 = tpu.memref_slice %arg5[%dma_start3A_140, %dma_start3A_144] : memref<20x128xi32, #tpu.memory_space<vmem>> -> memref<1x128xi32, #tpu.memory_space<vmem>>
    %dma_start3A_146 = tpu.memref_squeeze %dma_start3A_145 : memref<1x128xi32, #tpu.memory_space<vmem>> -> memref<128xi32, #tpu.memory_space<vmem>>
    %dma_start3A_147 = arith.constant 0 : i32
    %dma_start3A_148 = arith.constant 0 : i32
    %dma_start3A_149 = tpu.memref_slice %arg2[%dma_start3A_147, %dma_start3A_148] : memref<245760x32xf32, #tpu.memory_space<hbm>> -> memref<245760x32xf32, #tpu.memory_space<hbm>>
    tpu.enqueue_indirect_dma source(%dma_start3A_149 : memref<245760x32xf32, #tpu.memory_space<hbm>>) target(%dma_start3A_143 : memref<128x32xf32, #tpu.memory_space<vmem>>) offsets(%dma_start3A_146 : memref<128xi32, #tpu.memory_space<vmem>>) semaphore(%arg7 : memref<!tpu.dma_semaphore, #tpu.memory_space<semaphore_mem>>)
    %dma_start3A_150 = arith.constant 15 : i32
    %dma_start3A_151 = arith.constant 1920 : i32
    %dma_start3A_152 = arith.constant 0 : i32
    %dma_start3A_153 = tpu.memref_slice %arg6[%dma_start3A_151, %dma_start3A_152] : memref<2560x32xf32, #tpu.memory_space<vmem>> -> memref<128x32xf32, #tpu.memory_space<vmem>>
    %dma_start3A_154 = arith.constant 0 : i32
    %dma_start3A_155 = tpu.memref_slice %arg5[%dma_start3A_150, %dma_start3A_154] : memref<20x128xi32, #tpu.memory_space<vmem>> -> memref<1x128xi32, #tpu.memory_space<vmem>>
    %dma_start3A_156 = tpu.memref_squeeze %dma_start3A_155 : memref<1x128xi32, #tpu.memory_space<vmem>> -> memref<128xi32, #tpu.memory_space<vmem>>
    %dma_start3A_157 = arith.constant 0 : i32
    %dma_start3A_158 = arith.constant 0 : i32
    %dma_start3A_159 = tpu.memref_slice %arg2[%dma_start3A_157, %dma_start3A_158] : memref<245760x32xf32, #tpu.memory_space<hbm>> -> memref<245760x32xf32, #tpu.memory_space<hbm>>
    tpu.enqueue_indirect_dma source(%dma_start3A_159 : memref<245760x32xf32, #tpu.memory_space<hbm>>) target(%dma_start3A_153 : memref<128x32xf32, #tpu.memory_space<vmem>>) offsets(%dma_start3A_156 : memref<128xi32, #tpu.memory_space<vmem>>) semaphore(%arg7 : memref<!tpu.dma_semaphore, #tpu.memory_space<semaphore_mem>>)
    %dma_start3A_160 = arith.constant 16 : i32
    %dma_start3A_161 = arith.constant 2048 : i32
    %dma_start3A_162 = arith.constant 0 : i32
    %dma_start3A_163 = tpu.memref_slice %arg6[%dma_start3A_161, %dma_start3A_162] : memref<2560x32xf32, #tpu.memory_space<vmem>> -> memref<128x32xf32, #tpu.memory_space<vmem>>
    %dma_start3A_164 = arith.constant 0 : i32
    %dma_start3A_165 = tpu.memref_slice %arg5[%dma_start3A_160, %dma_start3A_164] : memref<20x128xi32, #tpu.memory_space<vmem>> -> memref<1x128xi32, #tpu.memory_space<vmem>>
    %dma_start3A_166 = tpu.memref_squeeze %dma_start3A_165 : memref<1x128xi32, #tpu.memory_space<vmem>> -> memref<128xi32, #tpu.memory_space<vmem>>
    %dma_start3A_167 = arith.constant 0 : i32
    %dma_start3A_168 = arith.constant 0 : i32
    %dma_start3A_169 = tpu.memref_slice %arg2[%dma_start3A_167, %dma_start3A_168] : memref<245760x32xf32, #tpu.memory_space<hbm>> -> memref<245760x32xf32, #tpu.memory_space<hbm>>
    tpu.enqueue_indirect_dma source(%dma_start3A_169 : memref<245760x32xf32, #tpu.memory_space<hbm>>) target(%dma_start3A_163 : memref<128x32xf32, #tpu.memory_space<vmem>>) offsets(%dma_start3A_166 : memref<128xi32, #tpu.memory_space<vmem>>) semaphore(%arg7 : memref<!tpu.dma_semaphore, #tpu.memory_space<semaphore_mem>>)
    %dma_start3A_170 = arith.constant 17 : i32
    %dma_start3A_171 = arith.constant 2176 : i32
    %dma_start3A_172 = arith.constant 0 : i32
    %dma_start3A_173 = tpu.memref_slice %arg6[%dma_start3A_171, %dma_start3A_172] : memref<2560x32xf32, #tpu.memory_space<vmem>> -> memref<128x32xf32, #tpu.memory_space<vmem>>
    %dma_start3A_174 = arith.constant 0 : i32
    %dma_start3A_175 = tpu.memref_slice %arg5[%dma_start3A_170, %dma_start3A_174] : memref<20x128xi32, #tpu.memory_space<vmem>> -> memref<1x128xi32, #tpu.memory_space<vmem>>
    %dma_start3A_176 = tpu.memref_squeeze %dma_start3A_175 : memref<1x128xi32, #tpu.memory_space<vmem>> -> memref<128xi32, #tpu.memory_space<vmem>>
    %dma_start3A_177 = arith.constant 0 : i32
    %dma_start3A_178 = arith.constant 0 : i32
    %dma_start3A_179 = tpu.memref_slice %arg2[%dma_start3A_177, %dma_start3A_178] : memref<245760x32xf32, #tpu.memory_space<hbm>> -> memref<245760x32xf32, #tpu.memory_space<hbm>>
    tpu.enqueue_indirect_dma source(%dma_start3A_179 : memref<245760x32xf32, #tpu.memory_space<hbm>>) target(%dma_start3A_173 : memref<128x32xf32, #tpu.memory_space<vmem>>) offsets(%dma_start3A_176 : memref<128xi32, #tpu.memory_space<vmem>>) semaphore(%arg7 : memref<!tpu.dma_semaphore, #tpu.memory_space<semaphore_mem>>)
    %dma_start3A_180 = arith.constant 18 : i32
    %dma_start3A_181 = arith.constant 2304 : i32
    %dma_start3A_182 = arith.constant 0 : i32
    %dma_start3A_183 = tpu.memref_slice %arg6[%dma_start3A_181, %dma_start3A_182] : memref<2560x32xf32, #tpu.memory_space<vmem>> -> memref<128x32xf32, #tpu.memory_space<vmem>>
    %dma_start3A_184 = arith.constant 0 : i32
    %dma_start3A_185 = tpu.memref_slice %arg5[%dma_start3A_180, %dma_start3A_184] : memref<20x128xi32, #tpu.memory_space<vmem>> -> memref<1x128xi32, #tpu.memory_space<vmem>>
    %dma_start3A_186 = tpu.memref_squeeze %dma_start3A_185 : memref<1x128xi32, #tpu.memory_space<vmem>> -> memref<128xi32, #tpu.memory_space<vmem>>
    %dma_start3A_187 = arith.constant 0 : i32
    %dma_start3A_188 = arith.constant 0 : i32
    %dma_start3A_189 = tpu.memref_slice %arg2[%dma_start3A_187, %dma_start3A_188] : memref<245760x32xf32, #tpu.memory_space<hbm>> -> memref<245760x32xf32, #tpu.memory_space<hbm>>
    tpu.enqueue_indirect_dma source(%dma_start3A_189 : memref<245760x32xf32, #tpu.memory_space<hbm>>) target(%dma_start3A_183 : memref<128x32xf32, #tpu.memory_space<vmem>>) offsets(%dma_start3A_186 : memref<128xi32, #tpu.memory_space<vmem>>) semaphore(%arg7 : memref<!tpu.dma_semaphore, #tpu.memory_space<semaphore_mem>>)
    %dma_start3A_190 = arith.constant 19 : i32
    %dma_start3A_191 = arith.constant 2432 : i32
    %dma_start3A_192 = arith.constant 0 : i32
    %dma_start3A_193 = tpu.memref_slice %arg6[%dma_start3A_191, %dma_start3A_192] : memref<2560x32xf32, #tpu.memory_space<vmem>> -> memref<128x32xf32, #tpu.memory_space<vmem>>
    %dma_start3A_194 = arith.constant 0 : i32
    %dma_start3A_195 = tpu.memref_slice %arg5[%dma_start3A_190, %dma_start3A_194] : memref<20x128xi32, #tpu.memory_space<vmem>> -> memref<1x128xi32, #tpu.memory_space<vmem>>
    %dma_start3A_196 = tpu.memref_squeeze %dma_start3A_195 : memref<1x128xi32, #tpu.memory_space<vmem>> -> memref<128xi32, #tpu.memory_space<vmem>>
    %dma_start3A_197 = arith.constant 0 : i32
    %dma_start3A_198 = arith.constant 0 : i32
    %dma_start3A_199 = tpu.memref_slice %arg2[%dma_start3A_197, %dma_start3A_198] : memref<245760x32xf32, #tpu.memory_space<hbm>> -> memref<245760x32xf32, #tpu.memory_space<hbm>>
    tpu.enqueue_indirect_dma source(%dma_start3A_199 : memref<245760x32xf32, #tpu.memory_space<hbm>>) target(%dma_start3A_193 : memref<128x32xf32, #tpu.memory_space<vmem>>) offsets(%dma_start3A_196 : memref<128xi32, #tpu.memory_space<vmem>>) semaphore(%arg7 : memref<!tpu.dma_semaphore, #tpu.memory_space<semaphore_mem>>)
    %dma_wait3A = arith.constant 0 : i32
    %dma_wait3A_200 = arith.constant 0 : i32
    %dma_wait3A_201 = arith.constant 0 : i32
    %dma_wait3A_202 = tpu.memref_slice %arg6[%dma_wait3A_200, %dma_wait3A_201] : memref<2560x32xf32, #tpu.memory_space<vmem>> -> memref<128x32xf32, #tpu.memory_space<vmem>>
    %dma_wait3A_203 = arith.constant 0 : i32
    %dma_wait3A_204 = tpu.memref_slice %arg5[%dma_wait3A, %dma_wait3A_203] : memref<20x128xi32, #tpu.memory_space<vmem>> -> memref<1x128xi32, #tpu.memory_space<vmem>>
    %dma_wait3A_205 = tpu.memref_squeeze %dma_wait3A_204 : memref<1x128xi32, #tpu.memory_space<vmem>> -> memref<128xi32, #tpu.memory_space<vmem>>
    %dma_wait3A_206 = arith.constant 0 : i32
    %dma_wait3A_207 = arith.constant 0 : i32
    %dma_wait3A_208 = tpu.memref_slice %arg2[%dma_wait3A_206, %dma_wait3A_207] : memref<245760x32xf32, #tpu.memory_space<hbm>> -> memref<245760x32xf32, #tpu.memory_space<hbm>>
    tpu.wait_indirect_dma semaphore(%arg7 : memref<!tpu.dma_semaphore, #tpu.memory_space<semaphore_mem>>) src(%dma_wait3A_208 : memref<245760x32xf32, #tpu.memory_space<hbm>>) dst(%dma_wait3A_202 : memref<128x32xf32, #tpu.memory_space<vmem>>)
    %dma_wait3A_209 = arith.constant 1 : i32
    %dma_wait3A_210 = arith.constant 128 : i32
    %dma_wait3A_211 = arith.constant 0 : i32
    %dma_wait3A_212 = tpu.memref_slice %arg6[%dma_wait3A_210, %dma_wait3A_211] : memref<2560x32xf32, #tpu.memory_space<vmem>> -> memref<128x32xf32, #tpu.memory_space<vmem>>
    %dma_wait3A_213 = arith.constant 0 : i32
    %dma_wait3A_214 = tpu.memref_slice %arg5[%dma_wait3A_209, %dma_wait3A_213] : memref<20x128xi32, #tpu.memory_space<vmem>> -> memref<1x128xi32, #tpu.memory_space<vmem>>
    %dma_wait3A_215 = tpu.memref_squeeze %dma_wait3A_214 : memref<1x128xi32, #tpu.memory_space<vmem>> -> memref<128xi32, #tpu.memory_space<vmem>>
    %dma_wait3A_216 = arith.constant 0 : i32
    %dma_wait3A_217 = arith.constant 0 : i32
    %dma_wait3A_218 = tpu.memref_slice %arg2[%dma_wait3A_216, %dma_wait3A_217] : memref<245760x32xf32, #tpu.memory_space<hbm>> -> memref<245760x32xf32, #tpu.memory_space<hbm>>
    tpu.wait_indirect_dma semaphore(%arg7 : memref<!tpu.dma_semaphore, #tpu.memory_space<semaphore_mem>>) src(%dma_wait3A_218 : memref<245760x32xf32, #tpu.memory_space<hbm>>) dst(%dma_wait3A_212 : memref<128x32xf32, #tpu.memory_space<vmem>>)
    %dma_wait3A_219 = arith.constant 2 : i32
    %dma_wait3A_220 = arith.constant 256 : i32
    %dma_wait3A_221 = arith.constant 0 : i32
    %dma_wait3A_222 = tpu.memref_slice %arg6[%dma_wait3A_220, %dma_wait3A_221] : memref<2560x32xf32, #tpu.memory_space<vmem>> -> memref<128x32xf32, #tpu.memory_space<vmem>>
    %dma_wait3A_223 = arith.constant 0 : i32
    %dma_wait3A_224 = tpu.memref_slice %arg5[%dma_wait3A_219, %dma_wait3A_223] : memref<20x128xi32, #tpu.memory_space<vmem>> -> memref<1x128xi32, #tpu.memory_space<vmem>>
    %dma_wait3A_225 = tpu.memref_squeeze %dma_wait3A_224 : memref<1x128xi32, #tpu.memory_space<vmem>> -> memref<128xi32, #tpu.memory_space<vmem>>
    %dma_wait3A_226 = arith.constant 0 : i32
    %dma_wait3A_227 = arith.constant 0 : i32
    %dma_wait3A_228 = tpu.memref_slice %arg2[%dma_wait3A_226, %dma_wait3A_227] : memref<245760x32xf32, #tpu.memory_space<hbm>> -> memref<245760x32xf32, #tpu.memory_space<hbm>>
    tpu.wait_indirect_dma semaphore(%arg7 : memref<!tpu.dma_semaphore, #tpu.memory_space<semaphore_mem>>) src(%dma_wait3A_228 : memref<245760x32xf32, #tpu.memory_space<hbm>>) dst(%dma_wait3A_222 : memref<128x32xf32, #tpu.memory_space<vmem>>)
    %dma_wait3A_229 = arith.constant 3 : i32
    %dma_wait3A_230 = arith.constant 384 : i32
    %dma_wait3A_231 = arith.constant 0 : i32
    %dma_wait3A_232 = tpu.memref_slice %arg6[%dma_wait3A_230, %dma_wait3A_231] : memref<2560x32xf32, #tpu.memory_space<vmem>> -> memref<128x32xf32, #tpu.memory_space<vmem>>
    %dma_wait3A_233 = arith.constant 0 : i32
    %dma_wait3A_234 = tpu.memref_slice %arg5[%dma_wait3A_229, %dma_wait3A_233] : memref<20x128xi32, #tpu.memory_space<vmem>> -> memref<1x128xi32, #tpu.memory_space<vmem>>
    %dma_wait3A_235 = tpu.memref_squeeze %dma_wait3A_234 : memref<1x128xi32, #tpu.memory_space<vmem>> -> memref<128xi32, #tpu.memory_space<vmem>>
    %dma_wait3A_236 = arith.constant 0 : i32
    %dma_wait3A_237 = arith.constant 0 : i32
    %dma_wait3A_238 = tpu.memref_slice %arg2[%dma_wait3A_236, %dma_wait3A_237] : memref<245760x32xf32, #tpu.memory_space<hbm>> -> memref<245760x32xf32, #tpu.memory_space<hbm>>
    tpu.wait_indirect_dma semaphore(%arg7 : memref<!tpu.dma_semaphore, #tpu.memory_space<semaphore_mem>>) src(%dma_wait3A_238 : memref<245760x32xf32, #tpu.memory_space<hbm>>) dst(%dma_wait3A_232 : memref<128x32xf32, #tpu.memory_space<vmem>>)
    %dma_wait3A_239 = arith.constant 4 : i32
    %dma_wait3A_240 = arith.constant 512 : i32
    %dma_wait3A_241 = arith.constant 0 : i32
    %dma_wait3A_242 = tpu.memref_slice %arg6[%dma_wait3A_240, %dma_wait3A_241] : memref<2560x32xf32, #tpu.memory_space<vmem>> -> memref<128x32xf32, #tpu.memory_space<vmem>>
    %dma_wait3A_243 = arith.constant 0 : i32
    %dma_wait3A_244 = tpu.memref_slice %arg5[%dma_wait3A_239, %dma_wait3A_243] : memref<20x128xi32, #tpu.memory_space<vmem>> -> memref<1x128xi32, #tpu.memory_space<vmem>>
    %dma_wait3A_245 = tpu.memref_squeeze %dma_wait3A_244 : memref<1x128xi32, #tpu.memory_space<vmem>> -> memref<128xi32, #tpu.memory_space<vmem>>
    %dma_wait3A_246 = arith.constant 0 : i32
    %dma_wait3A_247 = arith.constant 0 : i32
    %dma_wait3A_248 = tpu.memref_slice %arg2[%dma_wait3A_246, %dma_wait3A_247] : memref<245760x32xf32, #tpu.memory_space<hbm>> -> memref<245760x32xf32, #tpu.memory_space<hbm>>
    tpu.wait_indirect_dma semaphore(%arg7 : memref<!tpu.dma_semaphore, #tpu.memory_space<semaphore_mem>>) src(%dma_wait3A_248 : memref<245760x32xf32, #tpu.memory_space<hbm>>) dst(%dma_wait3A_242 : memref<128x32xf32, #tpu.memory_space<vmem>>)
    %dma_wait3A_249 = arith.constant 5 : i32
    %dma_wait3A_250 = arith.constant 640 : i32
    %dma_wait3A_251 = arith.constant 0 : i32
    %dma_wait3A_252 = tpu.memref_slice %arg6[%dma_wait3A_250, %dma_wait3A_251] : memref<2560x32xf32, #tpu.memory_space<vmem>> -> memref<128x32xf32, #tpu.memory_space<vmem>>
    %dma_wait3A_253 = arith.constant 0 : i32
    %dma_wait3A_254 = tpu.memref_slice %arg5[%dma_wait3A_249, %dma_wait3A_253] : memref<20x128xi32, #tpu.memory_space<vmem>> -> memref<1x128xi32, #tpu.memory_space<vmem>>
    %dma_wait3A_255 = tpu.memref_squeeze %dma_wait3A_254 : memref<1x128xi32, #tpu.memory_space<vmem>> -> memref<128xi32, #tpu.memory_space<vmem>>
    %dma_wait3A_256 = arith.constant 0 : i32
    %dma_wait3A_257 = arith.constant 0 : i32
    %dma_wait3A_258 = tpu.memref_slice %arg2[%dma_wait3A_256, %dma_wait3A_257] : memref<245760x32xf32, #tpu.memory_space<hbm>> -> memref<245760x32xf32, #tpu.memory_space<hbm>>
    tpu.wait_indirect_dma semaphore(%arg7 : memref<!tpu.dma_semaphore, #tpu.memory_space<semaphore_mem>>) src(%dma_wait3A_258 : memref<245760x32xf32, #tpu.memory_space<hbm>>) dst(%dma_wait3A_252 : memref<128x32xf32, #tpu.memory_space<vmem>>)
    %dma_wait3A_259 = arith.constant 6 : i32
    %dma_wait3A_260 = arith.constant 768 : i32
    %dma_wait3A_261 = arith.constant 0 : i32
    %dma_wait3A_262 = tpu.memref_slice %arg6[%dma_wait3A_260, %dma_wait3A_261] : memref<2560x32xf32, #tpu.memory_space<vmem>> -> memref<128x32xf32, #tpu.memory_space<vmem>>
    %dma_wait3A_263 = arith.constant 0 : i32
    %dma_wait3A_264 = tpu.memref_slice %arg5[%dma_wait3A_259, %dma_wait3A_263] : memref<20x128xi32, #tpu.memory_space<vmem>> -> memref<1x128xi32, #tpu.memory_space<vmem>>
    %dma_wait3A_265 = tpu.memref_squeeze %dma_wait3A_264 : memref<1x128xi32, #tpu.memory_space<vmem>> -> memref<128xi32, #tpu.memory_space<vmem>>
    %dma_wait3A_266 = arith.constant 0 : i32
    %dma_wait3A_267 = arith.constant 0 : i32
    %dma_wait3A_268 = tpu.memref_slice %arg2[%dma_wait3A_266, %dma_wait3A_267] : memref<245760x32xf32, #tpu.memory_space<hbm>> -> memref<245760x32xf32, #tpu.memory_space<hbm>>
    tpu.wait_indirect_dma semaphore(%arg7 : memref<!tpu.dma_semaphore, #tpu.memory_space<semaphore_mem>>) src(%dma_wait3A_268 : memref<245760x32xf32, #tpu.memory_space<hbm>>) dst(%dma_wait3A_262 : memref<128x32xf32, #tpu.memory_space<vmem>>)
    %dma_wait3A_269 = arith.constant 7 : i32
    %dma_wait3A_270 = arith.constant 896 : i32
    %dma_wait3A_271 = arith.constant 0 : i32
    %dma_wait3A_272 = tpu.memref_slice %arg6[%dma_wait3A_270, %dma_wait3A_271] : memref<2560x32xf32, #tpu.memory_space<vmem>> -> memref<128x32xf32, #tpu.memory_space<vmem>>
    %dma_wait3A_273 = arith.constant 0 : i32
    %dma_wait3A_274 = tpu.memref_slice %arg5[%dma_wait3A_269, %dma_wait3A_273] : memref<20x128xi32, #tpu.memory_space<vmem>> -> memref<1x128xi32, #tpu.memory_space<vmem>>
    %dma_wait3A_275 = tpu.memref_squeeze %dma_wait3A_274 : memref<1x128xi32, #tpu.memory_space<vmem>> -> memref<128xi32, #tpu.memory_space<vmem>>
    %dma_wait3A_276 = arith.constant 0 : i32
    %dma_wait3A_277 = arith.constant 0 : i32
    %dma_wait3A_278 = tpu.memref_slice %arg2[%dma_wait3A_276, %dma_wait3A_277] : memref<245760x32xf32, #tpu.memory_space<hbm>> -> memref<245760x32xf32, #tpu.memory_space<hbm>>
    tpu.wait_indirect_dma semaphore(%arg7 : memref<!tpu.dma_semaphore, #tpu.memory_space<semaphore_mem>>) src(%dma_wait3A_278 : memref<245760x32xf32, #tpu.memory_space<hbm>>) dst(%dma_wait3A_272 : memref<128x32xf32, #tpu.memory_space<vmem>>)
    %dma_wait3A_279 = arith.constant 8 : i32
    %dma_wait3A_280 = arith.constant 1024 : i32
    %dma_wait3A_281 = arith.constant 0 : i32
    %dma_wait3A_282 = tpu.memref_slice %arg6[%dma_wait3A_280, %dma_wait3A_281] : memref<2560x32xf32, #tpu.memory_space<vmem>> -> memref<128x32xf32, #tpu.memory_space<vmem>>
    %dma_wait3A_283 = arith.constant 0 : i32
    %dma_wait3A_284 = tpu.memref_slice %arg5[%dma_wait3A_279, %dma_wait3A_283] : memref<20x128xi32, #tpu.memory_space<vmem>> -> memref<1x128xi32, #tpu.memory_space<vmem>>
    %dma_wait3A_285 = tpu.memref_squeeze %dma_wait3A_284 : memref<1x128xi32, #tpu.memory_space<vmem>> -> memref<128xi32, #tpu.memory_space<vmem>>
    %dma_wait3A_286 = arith.constant 0 : i32
    %dma_wait3A_287 = arith.constant 0 : i32
    %dma_wait3A_288 = tpu.memref_slice %arg2[%dma_wait3A_286, %dma_wait3A_287] : memref<245760x32xf32, #tpu.memory_space<hbm>> -> memref<245760x32xf32, #tpu.memory_space<hbm>>
    tpu.wait_indirect_dma semaphore(%arg7 : memref<!tpu.dma_semaphore, #tpu.memory_space<semaphore_mem>>) src(%dma_wait3A_288 : memref<245760x32xf32, #tpu.memory_space<hbm>>) dst(%dma_wait3A_282 : memref<128x32xf32, #tpu.memory_space<vmem>>)
    %dma_wait3A_289 = arith.constant 9 : i32
    %dma_wait3A_290 = arith.constant 1152 : i32
    %dma_wait3A_291 = arith.constant 0 : i32
    %dma_wait3A_292 = tpu.memref_slice %arg6[%dma_wait3A_290, %dma_wait3A_291] : memref<2560x32xf32, #tpu.memory_space<vmem>> -> memref<128x32xf32, #tpu.memory_space<vmem>>
    %dma_wait3A_293 = arith.constant 0 : i32
    %dma_wait3A_294 = tpu.memref_slice %arg5[%dma_wait3A_289, %dma_wait3A_293] : memref<20x128xi32, #tpu.memory_space<vmem>> -> memref<1x128xi32, #tpu.memory_space<vmem>>
    %dma_wait3A_295 = tpu.memref_squeeze %dma_wait3A_294 : memref<1x128xi32, #tpu.memory_space<vmem>> -> memref<128xi32, #tpu.memory_space<vmem>>
    %dma_wait3A_296 = arith.constant 0 : i32
    %dma_wait3A_297 = arith.constant 0 : i32
    %dma_wait3A_298 = tpu.memref_slice %arg2[%dma_wait3A_296, %dma_wait3A_297] : memref<245760x32xf32, #tpu.memory_space<hbm>> -> memref<245760x32xf32, #tpu.memory_space<hbm>>
    tpu.wait_indirect_dma semaphore(%arg7 : memref<!tpu.dma_semaphore, #tpu.memory_space<semaphore_mem>>) src(%dma_wait3A_298 : memref<245760x32xf32, #tpu.memory_space<hbm>>) dst(%dma_wait3A_292 : memref<128x32xf32, #tpu.memory_space<vmem>>)
    %dma_wait3A_299 = arith.constant 10 : i32
    %dma_wait3A_300 = arith.constant 1280 : i32
    %dma_wait3A_301 = arith.constant 0 : i32
    %dma_wait3A_302 = tpu.memref_slice %arg6[%dma_wait3A_300, %dma_wait3A_301] : memref<2560x32xf32, #tpu.memory_space<vmem>> -> memref<128x32xf32, #tpu.memory_space<vmem>>
    %dma_wait3A_303 = arith.constant 0 : i32
    %dma_wait3A_304 = tpu.memref_slice %arg5[%dma_wait3A_299, %dma_wait3A_303] : memref<20x128xi32, #tpu.memory_space<vmem>> -> memref<1x128xi32, #tpu.memory_space<vmem>>
    %dma_wait3A_305 = tpu.memref_squeeze %dma_wait3A_304 : memref<1x128xi32, #tpu.memory_space<vmem>> -> memref<128xi32, #tpu.memory_space<vmem>>
    %dma_wait3A_306 = arith.constant 0 : i32
    %dma_wait3A_307 = arith.constant 0 : i32
    %dma_wait3A_308 = tpu.memref_slice %arg2[%dma_wait3A_306, %dma_wait3A_307] : memref<245760x32xf32, #tpu.memory_space<hbm>> -> memref<245760x32xf32, #tpu.memory_space<hbm>>
    tpu.wait_indirect_dma semaphore(%arg7 : memref<!tpu.dma_semaphore, #tpu.memory_space<semaphore_mem>>) src(%dma_wait3A_308 : memref<245760x32xf32, #tpu.memory_space<hbm>>) dst(%dma_wait3A_302 : memref<128x32xf32, #tpu.memory_space<vmem>>)
    %dma_wait3A_309 = arith.constant 11 : i32
    %dma_wait3A_310 = arith.constant 1408 : i32
    %dma_wait3A_311 = arith.constant 0 : i32
    %dma_wait3A_312 = tpu.memref_slice %arg6[%dma_wait3A_310, %dma_wait3A_311] : memref<2560x32xf32, #tpu.memory_space<vmem>> -> memref<128x32xf32, #tpu.memory_space<vmem>>
    %dma_wait3A_313 = arith.constant 0 : i32
    %dma_wait3A_314 = tpu.memref_slice %arg5[%dma_wait3A_309, %dma_wait3A_313] : memref<20x128xi32, #tpu.memory_space<vmem>> -> memref<1x128xi32, #tpu.memory_space<vmem>>
    %dma_wait3A_315 = tpu.memref_squeeze %dma_wait3A_314 : memref<1x128xi32, #tpu.memory_space<vmem>> -> memref<128xi32, #tpu.memory_space<vmem>>
    %dma_wait3A_316 = arith.constant 0 : i32
    %dma_wait3A_317 = arith.constant 0 : i32
    %dma_wait3A_318 = tpu.memref_slice %arg2[%dma_wait3A_316, %dma_wait3A_317] : memref<245760x32xf32, #tpu.memory_space<hbm>> -> memref<245760x32xf32, #tpu.memory_space<hbm>>
    tpu.wait_indirect_dma semaphore(%arg7 : memref<!tpu.dma_semaphore, #tpu.memory_space<semaphore_mem>>) src(%dma_wait3A_318 : memref<245760x32xf32, #tpu.memory_space<hbm>>) dst(%dma_wait3A_312 : memref<128x32xf32, #tpu.memory_space<vmem>>)
    %dma_wait3A_319 = arith.constant 12 : i32
    %dma_wait3A_320 = arith.constant 1536 : i32
    %dma_wait3A_321 = arith.constant 0 : i32
    %dma_wait3A_322 = tpu.memref_slice %arg6[%dma_wait3A_320, %dma_wait3A_321] : memref<2560x32xf32, #tpu.memory_space<vmem>> -> memref<128x32xf32, #tpu.memory_space<vmem>>
    %dma_wait3A_323 = arith.constant 0 : i32
    %dma_wait3A_324 = tpu.memref_slice %arg5[%dma_wait3A_319, %dma_wait3A_323] : memref<20x128xi32, #tpu.memory_space<vmem>> -> memref<1x128xi32, #tpu.memory_space<vmem>>
    %dma_wait3A_325 = tpu.memref_squeeze %dma_wait3A_324 : memref<1x128xi32, #tpu.memory_space<vmem>> -> memref<128xi32, #tpu.memory_space<vmem>>
    %dma_wait3A_326 = arith.constant 0 : i32
    %dma_wait3A_327 = arith.constant 0 : i32
    %dma_wait3A_328 = tpu.memref_slice %arg2[%dma_wait3A_326, %dma_wait3A_327] : memref<245760x32xf32, #tpu.memory_space<hbm>> -> memref<245760x32xf32, #tpu.memory_space<hbm>>
    tpu.wait_indirect_dma semaphore(%arg7 : memref<!tpu.dma_semaphore, #tpu.memory_space<semaphore_mem>>) src(%dma_wait3A_328 : memref<245760x32xf32, #tpu.memory_space<hbm>>) dst(%dma_wait3A_322 : memref<128x32xf32, #tpu.memory_space<vmem>>)
    %dma_wait3A_329 = arith.constant 13 : i32
    %dma_wait3A_330 = arith.constant 1664 : i32
    %dma_wait3A_331 = arith.constant 0 : i32
    %dma_wait3A_332 = tpu.memref_slice %arg6[%dma_wait3A_330, %dma_wait3A_331] : memref<2560x32xf32, #tpu.memory_space<vmem>> -> memref<128x32xf32, #tpu.memory_space<vmem>>
    %dma_wait3A_333 = arith.constant 0 : i32
    %dma_wait3A_334 = tpu.memref_slice %arg5[%dma_wait3A_329, %dma_wait3A_333] : memref<20x128xi32, #tpu.memory_space<vmem>> -> memref<1x128xi32, #tpu.memory_space<vmem>>
    %dma_wait3A_335 = tpu.memref_squeeze %dma_wait3A_334 : memref<1x128xi32, #tpu.memory_space<vmem>> -> memref<128xi32, #tpu.memory_space<vmem>>
    %dma_wait3A_336 = arith.constant 0 : i32
    %dma_wait3A_337 = arith.constant 0 : i32
    %dma_wait3A_338 = tpu.memref_slice %arg2[%dma_wait3A_336, %dma_wait3A_337] : memref<245760x32xf32, #tpu.memory_space<hbm>> -> memref<245760x32xf32, #tpu.memory_space<hbm>>
    tpu.wait_indirect_dma semaphore(%arg7 : memref<!tpu.dma_semaphore, #tpu.memory_space<semaphore_mem>>) src(%dma_wait3A_338 : memref<245760x32xf32, #tpu.memory_space<hbm>>) dst(%dma_wait3A_332 : memref<128x32xf32, #tpu.memory_space<vmem>>)
    %dma_wait3A_339 = arith.constant 14 : i32
    %dma_wait3A_340 = arith.constant 1792 : i32
    %dma_wait3A_341 = arith.constant 0 : i32
    %dma_wait3A_342 = tpu.memref_slice %arg6[%dma_wait3A_340, %dma_wait3A_341] : memref<2560x32xf32, #tpu.memory_space<vmem>> -> memref<128x32xf32, #tpu.memory_space<vmem>>
    %dma_wait3A_343 = arith.constant 0 : i32
    %dma_wait3A_344 = tpu.memref_slice %arg5[%dma_wait3A_339, %dma_wait3A_343] : memref<20x128xi32, #tpu.memory_space<vmem>> -> memref<1x128xi32, #tpu.memory_space<vmem>>
    %dma_wait3A_345 = tpu.memref_squeeze %dma_wait3A_344 : memref<1x128xi32, #tpu.memory_space<vmem>> -> memref<128xi32, #tpu.memory_space<vmem>>
    %dma_wait3A_346 = arith.constant 0 : i32
    %dma_wait3A_347 = arith.constant 0 : i32
    %dma_wait3A_348 = tpu.memref_slice %arg2[%dma_wait3A_346, %dma_wait3A_347] : memref<245760x32xf32, #tpu.memory_space<hbm>> -> memref<245760x32xf32, #tpu.memory_space<hbm>>
    tpu.wait_indirect_dma semaphore(%arg7 : memref<!tpu.dma_semaphore, #tpu.memory_space<semaphore_mem>>) src(%dma_wait3A_348 : memref<245760x32xf32, #tpu.memory_space<hbm>>) dst(%dma_wait3A_342 : memref<128x32xf32, #tpu.memory_space<vmem>>)
    %dma_wait3A_349 = arith.constant 15 : i32
    %dma_wait3A_350 = arith.constant 1920 : i32
    %dma_wait3A_351 = arith.constant 0 : i32
    %dma_wait3A_352 = tpu.memref_slice %arg6[%dma_wait3A_350, %dma_wait3A_351] : memref<2560x32xf32, #tpu.memory_space<vmem>> -> memref<128x32xf32, #tpu.memory_space<vmem>>
    %dma_wait3A_353 = arith.constant 0 : i32
    %dma_wait3A_354 = tpu.memref_slice %arg5[%dma_wait3A_349, %dma_wait3A_353] : memref<20x128xi32, #tpu.memory_space<vmem>> -> memref<1x128xi32, #tpu.memory_space<vmem>>
    %dma_wait3A_355 = tpu.memref_squeeze %dma_wait3A_354 : memref<1x128xi32, #tpu.memory_space<vmem>> -> memref<128xi32, #tpu.memory_space<vmem>>
    %dma_wait3A_356 = arith.constant 0 : i32
    %dma_wait3A_357 = arith.constant 0 : i32
    %dma_wait3A_358 = tpu.memref_slice %arg2[%dma_wait3A_356, %dma_wait3A_357] : memref<245760x32xf32, #tpu.memory_space<hbm>> -> memref<245760x32xf32, #tpu.memory_space<hbm>>
    tpu.wait_indirect_dma semaphore(%arg7 : memref<!tpu.dma_semaphore, #tpu.memory_space<semaphore_mem>>) src(%dma_wait3A_358 : memref<245760x32xf32, #tpu.memory_space<hbm>>) dst(%dma_wait3A_352 : memref<128x32xf32, #tpu.memory_space<vmem>>)
    %dma_wait3A_359 = arith.constant 16 : i32
    %dma_wait3A_360 = arith.constant 2048 : i32
    %dma_wait3A_361 = arith.constant 0 : i32
    %dma_wait3A_362 = tpu.memref_slice %arg6[%dma_wait3A_360, %dma_wait3A_361] : memref<2560x32xf32, #tpu.memory_space<vmem>> -> memref<128x32xf32, #tpu.memory_space<vmem>>
    %dma_wait3A_363 = arith.constant 0 : i32
    %dma_wait3A_364 = tpu.memref_slice %arg5[%dma_wait3A_359, %dma_wait3A_363] : memref<20x128xi32, #tpu.memory_space<vmem>> -> memref<1x128xi32, #tpu.memory_space<vmem>>
    %dma_wait3A_365 = tpu.memref_squeeze %dma_wait3A_364 : memref<1x128xi32, #tpu.memory_space<vmem>> -> memref<128xi32, #tpu.memory_space<vmem>>
    %dma_wait3A_366 = arith.constant 0 : i32
    %dma_wait3A_367 = arith.constant 0 : i32
    %dma_wait3A_368 = tpu.memref_slice %arg2[%dma_wait3A_366, %dma_wait3A_367] : memref<245760x32xf32, #tpu.memory_space<hbm>> -> memref<245760x32xf32, #tpu.memory_space<hbm>>
    tpu.wait_indirect_dma semaphore(%arg7 : memref<!tpu.dma_semaphore, #tpu.memory_space<semaphore_mem>>) src(%dma_wait3A_368 : memref<245760x32xf32, #tpu.memory_space<hbm>>) dst(%dma_wait3A_362 : memref<128x32xf32, #tpu.memory_space<vmem>>)
    %dma_wait3A_369 = arith.constant 17 : i32
    %dma_wait3A_370 = arith.constant 2176 : i32
    %dma_wait3A_371 = arith.constant 0 : i32
    %dma_wait3A_372 = tpu.memref_slice %arg6[%dma_wait3A_370, %dma_wait3A_371] : memref<2560x32xf32, #tpu.memory_space<vmem>> -> memref<128x32xf32, #tpu.memory_space<vmem>>
    %dma_wait3A_373 = arith.constant 0 : i32
    %dma_wait3A_374 = tpu.memref_slice %arg5[%dma_wait3A_369, %dma_wait3A_373] : memref<20x128xi32, #tpu.memory_space<vmem>> -> memref<1x128xi32, #tpu.memory_space<vmem>>
    %dma_wait3A_375 = tpu.memref_squeeze %dma_wait3A_374 : memref<1x128xi32, #tpu.memory_space<vmem>> -> memref<128xi32, #tpu.memory_space<vmem>>
    %dma_wait3A_376 = arith.constant 0 : i32
    %dma_wait3A_377 = arith.constant 0 : i32
    %dma_wait3A_378 = tpu.memref_slice %arg2[%dma_wait3A_376, %dma_wait3A_377] : memref<245760x32xf32, #tpu.memory_space<hbm>> -> memref<245760x32xf32, #tpu.memory_space<hbm>>
    tpu.wait_indirect_dma semaphore(%arg7 : memref<!tpu.dma_semaphore, #tpu.memory_space<semaphore_mem>>) src(%dma_wait3A_378 : memref<245760x32xf32, #tpu.memory_space<hbm>>) dst(%dma_wait3A_372 : memref<128x32xf32, #tpu.memory_space<vmem>>)
    %dma_wait3A_379 = arith.constant 18 : i32
    %dma_wait3A_380 = arith.constant 2304 : i32
    %dma_wait3A_381 = arith.constant 0 : i32
    %dma_wait3A_382 = tpu.memref_slice %arg6[%dma_wait3A_380, %dma_wait3A_381] : memref<2560x32xf32, #tpu.memory_space<vmem>> -> memref<128x32xf32, #tpu.memory_space<vmem>>
    %dma_wait3A_383 = arith.constant 0 : i32
    %dma_wait3A_384 = tpu.memref_slice %arg5[%dma_wait3A_379, %dma_wait3A_383] : memref<20x128xi32, #tpu.memory_space<vmem>> -> memref<1x128xi32, #tpu.memory_space<vmem>>
    %dma_wait3A_385 = tpu.memref_squeeze %dma_wait3A_384 : memref<1x128xi32, #tpu.memory_space<vmem>> -> memref<128xi32, #tpu.memory_space<vmem>>
    %dma_wait3A_386 = arith.constant 0 : i32
    %dma_wait3A_387 = arith.constant 0 : i32
    %dma_wait3A_388 = tpu.memref_slice %arg2[%dma_wait3A_386, %dma_wait3A_387] : memref<245760x32xf32, #tpu.memory_space<hbm>> -> memref<245760x32xf32, #tpu.memory_space<hbm>>
    tpu.wait_indirect_dma semaphore(%arg7 : memref<!tpu.dma_semaphore, #tpu.memory_space<semaphore_mem>>) src(%dma_wait3A_388 : memref<245760x32xf32, #tpu.memory_space<hbm>>) dst(%dma_wait3A_382 : memref<128x32xf32, #tpu.memory_space<vmem>>)
    %dma_wait3A_389 = arith.constant 19 : i32
    %dma_wait3A_390 = arith.constant 2432 : i32
    %dma_wait3A_391 = arith.constant 0 : i32
    %dma_wait3A_392 = tpu.memref_slice %arg6[%dma_wait3A_390, %dma_wait3A_391] : memref<2560x32xf32, #tpu.memory_space<vmem>> -> memref<128x32xf32, #tpu.memory_space<vmem>>
    %dma_wait3A_393 = arith.constant 0 : i32
    %dma_wait3A_394 = tpu.memref_slice %arg5[%dma_wait3A_389, %dma_wait3A_393] : memref<20x128xi32, #tpu.memory_space<vmem>> -> memref<1x128xi32, #tpu.memory_space<vmem>>
    %dma_wait3A_395 = tpu.memref_squeeze %dma_wait3A_394 : memref<1x128xi32, #tpu.memory_space<vmem>> -> memref<128xi32, #tpu.memory_space<vmem>>
    %dma_wait3A_396 = arith.constant 0 : i32
    %dma_wait3A_397 = arith.constant 0 : i32
    %dma_wait3A_398 = tpu.memref_slice %arg2[%dma_wait3A_396, %dma_wait3A_397] : memref<245760x32xf32, #tpu.memory_space<hbm>> -> memref<245760x32xf32, #tpu.memory_space<hbm>>
    tpu.wait_indirect_dma semaphore(%arg7 : memref<!tpu.dma_semaphore, #tpu.memory_space<semaphore_mem>>) src(%dma_wait3A_398 : memref<245760x32xf32, #tpu.memory_space<hbm>>) dst(%dma_wait3A_392 : memref<128x32xf32, #tpu.memory_space<vmem>>)
    %mul3A_399 = arith.constant 2560 : i32
    %mul3A_400 = arith.muli %add3A, %mul3A_399 : i32
    "tpu.region"() ({
      %run_scoped3A = tpu.sem_alloc : memref<!tpu.dma_semaphore, #tpu.memory_space<semaphore_mem>>
      %dma_start3A_401 = arith.constant 0 : i32
      %dma_start3A_402 = tpu.memref_slice %arg4[%mul3A_400, %dma_start3A_401] : memref<81920x32xf32, #tpu.memory_space<hbm>> -> memref<2560x32xf32, #tpu.memory_space<hbm>>
      %dma_start3A_403 = arith.constant 0 : i32
      %dma_start3A_404 = tpu.memref_slice %arg4[%mul3A_400, %dma_start3A_403] : memref<81920x32xf32, #tpu.memory_space<hbm>> -> memref<2560x32xf32, #tpu.memory_space<hbm>>
      tpu.enqueue_dma source(%arg6 : memref<2560x32xf32, #tpu.memory_space<vmem>>) target(%dma_start3A_404 : memref<2560x32xf32, #tpu.memory_space<hbm>>) target_semaphore(%run_scoped3A : memref<!tpu.dma_semaphore, #tpu.memory_space<semaphore_mem>>)
      %dma_wait3A_405 = arith.constant 0 : i32
      %dma_wait3A_406 = tpu.memref_slice %arg4[%mul3A_400, %dma_wait3A_405] : memref<81920x32xf32, #tpu.memory_space<hbm>> -> memref<2560x32xf32, #tpu.memory_space<hbm>>
      %dma_wait3A_407 = arith.constant 0 : i32
      %dma_wait3A_408 = tpu.memref_slice %arg4[%mul3A_400, %dma_wait3A_407] : memref<81920x32xf32, #tpu.memory_space<hbm>> -> memref<2560x32xf32, #tpu.memory_space<hbm>>
      tpu.wait_dma2 semaphore(%run_scoped3A : memref<!tpu.dma_semaphore, #tpu.memory_space<semaphore_mem>>) src(%arg6 : memref<2560x32xf32, #tpu.memory_space<vmem>>) dst(%dma_wait3A_408 : memref<2560x32xf32, #tpu.memory_space<hbm>>)
      tpu.yield
    }) : () -> ()
    return
  }
}

module attributes {stable_mosaic.version = 14 : i64} {
  func.func @_conv_body(%arg0: i32, %arg1: i32, %arg2: memref<1x1x320x128xf32, #tpu.memory_space<vmem>>, %arg3: memref<9x128x768xbf16, #tpu.memory_space<vmem>>, %arg4: memref<1x128xf32, #tpu.memory_space<vmem>>, %arg5: memref<1x1x2x320x128xf32, #tpu.memory_space<vmem>>, %arg6: memref<3x320x768xf32, #tpu.memory_space<vmem>>) attributes {dimension_semantics = [#tpu.dimension_semantics<arbitrary>, #tpu.dimension_semantics<arbitrary>], iteration_bounds = array<i64: 2, 49>, scalar_prefetch = 0 : i64, scratch_operands = 1 : i64, tpu.core_type = #tpu.core_type<tc>, window_params = [{transform_indices = @transform_0, window_bounds = array<i64: 1, 1, 320, 128>}, {pipeline_mode = #tpu.pipeline_mode<synchronous>, transform_indices = @transform_1, window_bounds = array<i64: 9, 128, 768>}, {pipeline_mode = #tpu.pipeline_mode<synchronous>, transform_indices = @transform_2, window_bounds = array<i64: 1, 128>}, {transform_indices = @transform_3, window_bounds = array<i64: 1, 1, 2, 320, 128>}]} {
    %rem3A = arith.constant 3 : i32
    %rem3A_0 = arith.remsi %arg1, %rem3A : i32
    %lt3A = arith.constant 48 : i32
    %lt3A_1 = arith.cmpi slt, %arg1, %lt3A : i32
    %convert_element_type3A = arith.extui %lt3A_1 : i1 to i32
    %cond3A = arith.constant 0 : i32
    %cond3A_2 = arith.cmpi ne, %convert_element_type3A, %cond3A : i32
    scf.if %cond3A_2 {
      %get3A = arith.constant 0 : index
      %get3A_16 = arith.constant 0 : index
      %get3A_17 = arith.constant 0 : index
      %get3A_18 = arith.constant 0 : index
      %get3A_19 = vector.load %arg2[%get3A, %get3A_16, %get3A_17, %get3A_18] : memref<1x1x320x128xf32, #tpu.memory_space<vmem>>, vector<1x1x320x128xf32>
      %get3A_20 = vector.shape_cast %get3A_19 : vector<1x1x320x128xf32> to vector<320x128xf32>
      %convert_element_type3A_21 = arith.truncf %get3A_20 : vector<320x128xf32> to vector<320x128xbf16>
      %broadcast_in_dim3A = arith.constant 0.000000e+00 : f32
      %broadcast_in_dim3A_22 = vector.broadcast %broadcast_in_dim3A : f32 to vector<320x768xf32>
      %broadcast_in_dim3A_23 = arith.constant 0.000000e+00 : bf16
      %broadcast_in_dim3A_24 = vector.broadcast %broadcast_in_dim3A_23 : bf16 to vector<7x128xbf16>
      %slice3A = vector.extract_strided_slice %convert_element_type3A_21 {offsets = [0, 0], sizes = [313, 128], strides = [1, 1]} : vector<320x128xbf16> to vector<313x128xbf16>
      %concatenate3A = tpu.concatenate %broadcast_in_dim3A_24, %slice3A in 0 : vector<7x128xbf16>, vector<313x128xbf16> -> vector<320x128xbf16>
      %broadcast_in_dim3A_25 = arith.constant 0.000000e+00 : bf16
      %broadcast_in_dim3A_26 = vector.broadcast %broadcast_in_dim3A_25 : bf16 to vector<6x128xbf16>
      %slice3A_27 = vector.extract_strided_slice %convert_element_type3A_21 {offsets = [0, 0], sizes = [314, 128], strides = [1, 1]} : vector<320x128xbf16> to vector<314x128xbf16>
      %concatenate3A_28 = tpu.concatenate %broadcast_in_dim3A_26, %slice3A_27 in 0 : vector<6x128xbf16>, vector<314x128xbf16> -> vector<320x128xbf16>
      %slice3A_29 = vector.extract_strided_slice %concatenate3A {offsets = [0, 80], sizes = [320, 48], strides = [1, 1]} : vector<320x128xbf16> to vector<320x48xbf16>
      %slice3A_30 = vector.extract_strided_slice %concatenate3A_28 {offsets = [0, 0], sizes = [320, 80], strides = [1, 1]} : vector<320x128xbf16> to vector<320x80xbf16>
      %concatenate3A_31 = tpu.concatenate %slice3A_29, %slice3A_30 in 1 : vector<320x48xbf16>, vector<320x80xbf16> -> vector<320x128xbf16>
      %get3A_32 = arith.constant 0 : index
      %get3A_33 = arith.constant 0 : index
      %get3A_34 = arith.constant 0 : index
      %get3A_35 = vector.load %arg3[%get3A_32, %get3A_33, %get3A_34] : memref<9x128x768xbf16, #tpu.memory_space<vmem>>, vector<1x128x768xbf16>
      %get3A_36 = vector.shape_cast %get3A_35 : vector<1x128x768xbf16> to vector<128x768xbf16>
      %dot_general3A = arith.constant dense<0.000000e+00> : vector<320x768xf32>
      %dot_general3A_37 = tpu.matmul %concatenate3A_31, %get3A_36, %dot_general3A {dimension_numbers = #tpu.dot_dimension_numbers<[1], [0], [0], [1], [0, 0, 1, 1], [], []>, transpose_lhs_hint = false} : vector<320x128xbf16>, vector<128x768xbf16>, vector<320x768xf32> -> vector<320x768xf32>
      %add3A = arith.addf %broadcast_in_dim3A_22, %dot_general3A_37 : vector<320x768xf32>
      %broadcast_in_dim3A_38 = arith.constant 0.000000e+00 : bf16
      %broadcast_in_dim3A_39 = vector.broadcast %broadcast_in_dim3A_38 : bf16 to vector<7x128xbf16>
      %slice3A_40 = vector.extract_strided_slice %convert_element_type3A_21 {offsets = [0, 0], sizes = [313, 128], strides = [1, 1]} : vector<320x128xbf16> to vector<313x128xbf16>
      %concatenate3A_41 = tpu.concatenate %broadcast_in_dim3A_39, %slice3A_40 in 0 : vector<7x128xbf16>, vector<313x128xbf16> -> vector<320x128xbf16>
      %broadcast_in_dim3A_42 = arith.constant 0.000000e+00 : bf16
      %broadcast_in_dim3A_43 = vector.broadcast %broadcast_in_dim3A_42 : bf16 to vector<6x128xbf16>
      %slice3A_44 = vector.extract_strided_slice %convert_element_type3A_21 {offsets = [0, 0], sizes = [314, 128], strides = [1, 1]} : vector<320x128xbf16> to vector<314x128xbf16>
      %concatenate3A_45 = tpu.concatenate %broadcast_in_dim3A_43, %slice3A_44 in 0 : vector<6x128xbf16>, vector<314x128xbf16> -> vector<320x128xbf16>
      %slice3A_46 = vector.extract_strided_slice %concatenate3A_41 {offsets = [0, 96], sizes = [320, 32], strides = [1, 1]} : vector<320x128xbf16> to vector<320x32xbf16>
      %slice3A_47 = vector.extract_strided_slice %concatenate3A_45 {offsets = [0, 0], sizes = [320, 96], strides = [1, 1]} : vector<320x128xbf16> to vector<320x96xbf16>
      %concatenate3A_48 = tpu.concatenate %slice3A_46, %slice3A_47 in 1 : vector<320x32xbf16>, vector<320x96xbf16> -> vector<320x128xbf16>
      %get3A_49 = arith.constant 1 : index
      %get3A_50 = arith.constant 0 : index
      %get3A_51 = arith.constant 0 : index
      %get3A_52 = vector.load %arg3[%get3A_49, %get3A_50, %get3A_51] : memref<9x128x768xbf16, #tpu.memory_space<vmem>>, vector<1x128x768xbf16>
      %get3A_53 = vector.shape_cast %get3A_52 : vector<1x128x768xbf16> to vector<128x768xbf16>
      %dot_general3A_54 = arith.constant dense<0.000000e+00> : vector<320x768xf32>
      %dot_general3A_55 = tpu.matmul %concatenate3A_48, %get3A_53, %dot_general3A_54 {dimension_numbers = #tpu.dot_dimension_numbers<[1], [0], [0], [1], [0, 0, 1, 1], [], []>, transpose_lhs_hint = false} : vector<320x128xbf16>, vector<128x768xbf16>, vector<320x768xf32> -> vector<320x768xf32>
      %add3A_56 = arith.addf %add3A, %dot_general3A_55 : vector<320x768xf32>
      %broadcast_in_dim3A_57 = arith.constant 0.000000e+00 : bf16
      %broadcast_in_dim3A_58 = vector.broadcast %broadcast_in_dim3A_57 : bf16 to vector<7x128xbf16>
      %slice3A_59 = vector.extract_strided_slice %convert_element_type3A_21 {offsets = [0, 0], sizes = [313, 128], strides = [1, 1]} : vector<320x128xbf16> to vector<313x128xbf16>
      %concatenate3A_60 = tpu.concatenate %broadcast_in_dim3A_58, %slice3A_59 in 0 : vector<7x128xbf16>, vector<313x128xbf16> -> vector<320x128xbf16>
      %broadcast_in_dim3A_61 = arith.constant 0.000000e+00 : bf16
      %broadcast_in_dim3A_62 = vector.broadcast %broadcast_in_dim3A_61 : bf16 to vector<6x128xbf16>
      %slice3A_63 = vector.extract_strided_slice %convert_element_type3A_21 {offsets = [0, 0], sizes = [314, 128], strides = [1, 1]} : vector<320x128xbf16> to vector<314x128xbf16>
      %concatenate3A_64 = tpu.concatenate %broadcast_in_dim3A_62, %slice3A_63 in 0 : vector<6x128xbf16>, vector<314x128xbf16> -> vector<320x128xbf16>
      %slice3A_65 = vector.extract_strided_slice %concatenate3A_60 {offsets = [0, 112], sizes = [320, 16], strides = [1, 1]} : vector<320x128xbf16> to vector<320x16xbf16>
      %slice3A_66 = vector.extract_strided_slice %concatenate3A_64 {offsets = [0, 0], sizes = [320, 112], strides = [1, 1]} : vector<320x128xbf16> to vector<320x112xbf16>
      %concatenate3A_67 = tpu.concatenate %slice3A_65, %slice3A_66 in 1 : vector<320x16xbf16>, vector<320x112xbf16> -> vector<320x128xbf16>
      %get3A_68 = arith.constant 2 : index
      %get3A_69 = arith.constant 0 : index
      %get3A_70 = arith.constant 0 : index
      %get3A_71 = vector.load %arg3[%get3A_68, %get3A_69, %get3A_70] : memref<9x128x768xbf16, #tpu.memory_space<vmem>>, vector<1x128x768xbf16>
      %get3A_72 = vector.shape_cast %get3A_71 : vector<1x128x768xbf16> to vector<128x768xbf16>
      %dot_general3A_73 = arith.constant dense<0.000000e+00> : vector<320x768xf32>
      %dot_general3A_74 = tpu.matmul %concatenate3A_67, %get3A_72, %dot_general3A_73 {dimension_numbers = #tpu.dot_dimension_numbers<[1], [0], [0], [1], [0, 0, 1, 1], [], []>, transpose_lhs_hint = false} : vector<320x128xbf16>, vector<128x768xbf16>, vector<320x768xf32> -> vector<320x768xf32>
      %add3A_75 = arith.addf %add3A_56, %dot_general3A_74 : vector<320x768xf32>
      %broadcast_in_dim3A_76 = arith.constant 0.000000e+00 : bf16
      %broadcast_in_dim3A_77 = vector.broadcast %broadcast_in_dim3A_76 : bf16 to vector<1x128xbf16>
      %slice3A_78 = vector.extract_strided_slice %convert_element_type3A_21 {offsets = [0, 0], sizes = [319, 128], strides = [1, 1]} : vector<320x128xbf16> to vector<319x128xbf16>
      %concatenate3A_79 = tpu.concatenate %broadcast_in_dim3A_77, %slice3A_78 in 0 : vector<1x128xbf16>, vector<319x128xbf16> -> vector<320x128xbf16>
      %slice3A_80 = vector.extract_strided_slice %concatenate3A_79 {offsets = [0, 112], sizes = [320, 16], strides = [1, 1]} : vector<320x128xbf16> to vector<320x16xbf16>
      %slice3A_81 = vector.extract_strided_slice %convert_element_type3A_21 {offsets = [0, 0], sizes = [320, 112], strides = [1, 1]} : vector<320x128xbf16> to vector<320x112xbf16>
      %concatenate3A_82 = tpu.concatenate %slice3A_80, %slice3A_81 in 1 : vector<320x16xbf16>, vector<320x112xbf16> -> vector<320x128xbf16>
      %get3A_83 = arith.constant 3 : index
      %get3A_84 = arith.constant 0 : index
      %get3A_85 = arith.constant 0 : index
      %get3A_86 = vector.load %arg3[%get3A_83, %get3A_84, %get3A_85] : memref<9x128x768xbf16, #tpu.memory_space<vmem>>, vector<1x128x768xbf16>
      %get3A_87 = vector.shape_cast %get3A_86 : vector<1x128x768xbf16> to vector<128x768xbf16>
      %dot_general3A_88 = arith.constant dense<0.000000e+00> : vector<320x768xf32>
      %dot_general3A_89 = tpu.matmul %concatenate3A_82, %get3A_87, %dot_general3A_88 {dimension_numbers = #tpu.dot_dimension_numbers<[1], [0], [0], [1], [0, 0, 1, 1], [], []>, transpose_lhs_hint = false} : vector<320x128xbf16>, vector<128x768xbf16>, vector<320x768xf32> -> vector<320x768xf32>
      %add3A_90 = arith.addf %add3A_75, %dot_general3A_89 : vector<320x768xf32>
      %get3A_91 = arith.constant 4 : index
      %get3A_92 = arith.constant 0 : index
      %get3A_93 = arith.constant 0 : index
      %get3A_94 = vector.load %arg3[%get3A_91, %get3A_92, %get3A_93] : memref<9x128x768xbf16, #tpu.memory_space<vmem>>, vector<1x128x768xbf16>
      %get3A_95 = vector.shape_cast %get3A_94 : vector<1x128x768xbf16> to vector<128x768xbf16>
      %dot_general3A_96 = arith.constant dense<0.000000e+00> : vector<320x768xf32>
      %dot_general3A_97 = tpu.matmul %convert_element_type3A_21, %get3A_95, %dot_general3A_96 {dimension_numbers = #tpu.dot_dimension_numbers<[1], [0], [0], [1], [0, 0, 1, 1], [], []>, transpose_lhs_hint = false} : vector<320x128xbf16>, vector<128x768xbf16>, vector<320x768xf32> -> vector<320x768xf32>
      %add3A_98 = arith.addf %add3A_90, %dot_general3A_97 : vector<320x768xf32>
      %slice3A_99 = vector.extract_strided_slice %convert_element_type3A_21 {offsets = [1, 0], sizes = [319, 128], strides = [1, 1]} : vector<320x128xbf16> to vector<319x128xbf16>
      %broadcast_in_dim3A_100 = arith.constant 0.000000e+00 : bf16
      %broadcast_in_dim3A_101 = vector.broadcast %broadcast_in_dim3A_100 : bf16 to vector<1x128xbf16>
      %concatenate3A_102 = tpu.concatenate %slice3A_99, %broadcast_in_dim3A_101 in 0 : vector<319x128xbf16>, vector<1x128xbf16> -> vector<320x128xbf16>
      %slice3A_103 = vector.extract_strided_slice %convert_element_type3A_21 {offsets = [0, 16], sizes = [320, 112], strides = [1, 1]} : vector<320x128xbf16> to vector<320x112xbf16>
      %slice3A_104 = vector.extract_strided_slice %concatenate3A_102 {offsets = [0, 0], sizes = [320, 16], strides = [1, 1]} : vector<320x128xbf16> to vector<320x16xbf16>
      %concatenate3A_105 = tpu.concatenate %slice3A_103, %slice3A_104 in 1 : vector<320x112xbf16>, vector<320x16xbf16> -> vector<320x128xbf16>
      %get3A_106 = arith.constant 5 : index
      %get3A_107 = arith.constant 0 : index
      %get3A_108 = arith.constant 0 : index
      %get3A_109 = vector.load %arg3[%get3A_106, %get3A_107, %get3A_108] : memref<9x128x768xbf16, #tpu.memory_space<vmem>>, vector<1x128x768xbf16>
      %get3A_110 = vector.shape_cast %get3A_109 : vector<1x128x768xbf16> to vector<128x768xbf16>
      %dot_general3A_111 = arith.constant dense<0.000000e+00> : vector<320x768xf32>
      %dot_general3A_112 = tpu.matmul %concatenate3A_105, %get3A_110, %dot_general3A_111 {dimension_numbers = #tpu.dot_dimension_numbers<[1], [0], [0], [1], [0, 0, 1, 1], [], []>, transpose_lhs_hint = false} : vector<320x128xbf16>, vector<128x768xbf16>, vector<320x768xf32> -> vector<320x768xf32>
      %add3A_113 = arith.addf %add3A_98, %dot_general3A_112 : vector<320x768xf32>
      %slice3A_114 = vector.extract_strided_slice %convert_element_type3A_21 {offsets = [6, 0], sizes = [314, 128], strides = [1, 1]} : vector<320x128xbf16> to vector<314x128xbf16>
      %broadcast_in_dim3A_115 = arith.constant 0.000000e+00 : bf16
      %broadcast_in_dim3A_116 = vector.broadcast %broadcast_in_dim3A_115 : bf16 to vector<6x128xbf16>
      %concatenate3A_117 = tpu.concatenate %slice3A_114, %broadcast_in_dim3A_116 in 0 : vector<314x128xbf16>, vector<6x128xbf16> -> vector<320x128xbf16>
      %slice3A_118 = vector.extract_strided_slice %convert_element_type3A_21 {offsets = [7, 0], sizes = [313, 128], strides = [1, 1]} : vector<320x128xbf16> to vector<313x128xbf16>
      %broadcast_in_dim3A_119 = arith.constant 0.000000e+00 : bf16
      %broadcast_in_dim3A_120 = vector.broadcast %broadcast_in_dim3A_119 : bf16 to vector<7x128xbf16>
      %concatenate3A_121 = tpu.concatenate %slice3A_118, %broadcast_in_dim3A_120 in 0 : vector<313x128xbf16>, vector<7x128xbf16> -> vector<320x128xbf16>
      %slice3A_122 = vector.extract_strided_slice %concatenate3A_117 {offsets = [0, 16], sizes = [320, 112], strides = [1, 1]} : vector<320x128xbf16> to vector<320x112xbf16>
      %slice3A_123 = vector.extract_strided_slice %concatenate3A_121 {offsets = [0, 0], sizes = [320, 16], strides = [1, 1]} : vector<320x128xbf16> to vector<320x16xbf16>
      %concatenate3A_124 = tpu.concatenate %slice3A_122, %slice3A_123 in 1 : vector<320x112xbf16>, vector<320x16xbf16> -> vector<320x128xbf16>
      %get3A_125 = arith.constant 6 : index
      %get3A_126 = arith.constant 0 : index
      %get3A_127 = arith.constant 0 : index
      %get3A_128 = vector.load %arg3[%get3A_125, %get3A_126, %get3A_127] : memref<9x128x768xbf16, #tpu.memory_space<vmem>>, vector<1x128x768xbf16>
      %get3A_129 = vector.shape_cast %get3A_128 : vector<1x128x768xbf16> to vector<128x768xbf16>
      %dot_general3A_130 = arith.constant dense<0.000000e+00> : vector<320x768xf32>
      %dot_general3A_131 = tpu.matmul %concatenate3A_124, %get3A_129, %dot_general3A_130 {dimension_numbers = #tpu.dot_dimension_numbers<[1], [0], [0], [1], [0, 0, 1, 1], [], []>, transpose_lhs_hint = false} : vector<320x128xbf16>, vector<128x768xbf16>, vector<320x768xf32> -> vector<320x768xf32>
      %add3A_132 = arith.addf %add3A_113, %dot_general3A_131 : vector<320x768xf32>
      %slice3A_133 = vector.extract_strided_slice %convert_element_type3A_21 {offsets = [6, 0], sizes = [314, 128], strides = [1, 1]} : vector<320x128xbf16> to vector<314x128xbf16>
      %broadcast_in_dim3A_134 = arith.constant 0.000000e+00 : bf16
      %broadcast_in_dim3A_135 = vector.broadcast %broadcast_in_dim3A_134 : bf16 to vector<6x128xbf16>
      %concatenate3A_136 = tpu.concatenate %slice3A_133, %broadcast_in_dim3A_135 in 0 : vector<314x128xbf16>, vector<6x128xbf16> -> vector<320x128xbf16>
      %slice3A_137 = vector.extract_strided_slice %convert_element_type3A_21 {offsets = [7, 0], sizes = [313, 128], strides = [1, 1]} : vector<320x128xbf16> to vector<313x128xbf16>
      %broadcast_in_dim3A_138 = arith.constant 0.000000e+00 : bf16
      %broadcast_in_dim3A_139 = vector.broadcast %broadcast_in_dim3A_138 : bf16 to vector<7x128xbf16>
      %concatenate3A_140 = tpu.concatenate %slice3A_137, %broadcast_in_dim3A_139 in 0 : vector<313x128xbf16>, vector<7x128xbf16> -> vector<320x128xbf16>
      %slice3A_141 = vector.extract_strided_slice %concatenate3A_136 {offsets = [0, 32], sizes = [320, 96], strides = [1, 1]} : vector<320x128xbf16> to vector<320x96xbf16>
      %slice3A_142 = vector.extract_strided_slice %concatenate3A_140 {offsets = [0, 0], sizes = [320, 32], strides = [1, 1]} : vector<320x128xbf16> to vector<320x32xbf16>
      %concatenate3A_143 = tpu.concatenate %slice3A_141, %slice3A_142 in 1 : vector<320x96xbf16>, vector<320x32xbf16> -> vector<320x128xbf16>
      %get3A_144 = arith.constant 7 : index
      %get3A_145 = arith.constant 0 : index
      %get3A_146 = arith.constant 0 : index
      %get3A_147 = vector.load %arg3[%get3A_144, %get3A_145, %get3A_146] : memref<9x128x768xbf16, #tpu.memory_space<vmem>>, vector<1x128x768xbf16>
      %get3A_148 = vector.shape_cast %get3A_147 : vector<1x128x768xbf16> to vector<128x768xbf16>
      %dot_general3A_149 = arith.constant dense<0.000000e+00> : vector<320x768xf32>
      %dot_general3A_150 = tpu.matmul %concatenate3A_143, %get3A_148, %dot_general3A_149 {dimension_numbers = #tpu.dot_dimension_numbers<[1], [0], [0], [1], [0, 0, 1, 1], [], []>, transpose_lhs_hint = false} : vector<320x128xbf16>, vector<128x768xbf16>, vector<320x768xf32> -> vector<320x768xf32>
      %add3A_151 = arith.addf %add3A_132, %dot_general3A_150 : vector<320x768xf32>
      %slice3A_152 = vector.extract_strided_slice %convert_element_type3A_21 {offsets = [6, 0], sizes = [314, 128], strides = [1, 1]} : vector<320x128xbf16> to vector<314x128xbf16>
      %broadcast_in_dim3A_153 = arith.constant 0.000000e+00 : bf16
      %broadcast_in_dim3A_154 = vector.broadcast %broadcast_in_dim3A_153 : bf16 to vector<6x128xbf16>
      %concatenate3A_155 = tpu.concatenate %slice3A_152, %broadcast_in_dim3A_154 in 0 : vector<314x128xbf16>, vector<6x128xbf16> -> vector<320x128xbf16>
      %slice3A_156 = vector.extract_strided_slice %convert_element_type3A_21 {offsets = [7, 0], sizes = [313, 128], strides = [1, 1]} : vector<320x128xbf16> to vector<313x128xbf16>
      %broadcast_in_dim3A_157 = arith.constant 0.000000e+00 : bf16
      %broadcast_in_dim3A_158 = vector.broadcast %broadcast_in_dim3A_157 : bf16 to vector<7x128xbf16>
      %concatenate3A_159 = tpu.concatenate %slice3A_156, %broadcast_in_dim3A_158 in 0 : vector<313x128xbf16>, vector<7x128xbf16> -> vector<320x128xbf16>
      %slice3A_160 = vector.extract_strided_slice %concatenate3A_155 {offsets = [0, 48], sizes = [320, 80], strides = [1, 1]} : vector<320x128xbf16> to vector<320x80xbf16>
      %slice3A_161 = vector.extract_strided_slice %concatenate3A_159 {offsets = [0, 0], sizes = [320, 48], strides = [1, 1]} : vector<320x128xbf16> to vector<320x48xbf16>
      %concatenate3A_162 = tpu.concatenate %slice3A_160, %slice3A_161 in 1 : vector<320x80xbf16>, vector<320x48xbf16> -> vector<320x128xbf16>
      %get3A_163 = arith.constant 8 : index
      %get3A_164 = arith.constant 0 : index
      %get3A_165 = arith.constant 0 : index
      %get3A_166 = vector.load %arg3[%get3A_163, %get3A_164, %get3A_165] : memref<9x128x768xbf16, #tpu.memory_space<vmem>>, vector<1x128x768xbf16>
      %get3A_167 = vector.shape_cast %get3A_166 : vector<1x128x768xbf16> to vector<128x768xbf16>
      %dot_general3A_168 = arith.constant dense<0.000000e+00> : vector<320x768xf32>
      %dot_general3A_169 = tpu.matmul %concatenate3A_162, %get3A_167, %dot_general3A_168 {dimension_numbers = #tpu.dot_dimension_numbers<[1], [0], [0], [1], [0, 0, 1, 1], [], []>, transpose_lhs_hint = false} : vector<320x128xbf16>, vector<128x768xbf16>, vector<320x768xf32> -> vector<320x768xf32>
      %add3A_170 = arith.addf %add3A_151, %dot_general3A_169 : vector<320x768xf32>
      %swap3A = arith.index_cast %rem3A_0 : i32 to index
      %swap3A_171 = arith.constant 0 : index
      %swap3A_172 = arith.constant 0 : index
      %swap3A_173 = vector.load %arg6[%swap3A, %swap3A_171, %swap3A_172] : memref<3x320x768xf32, #tpu.memory_space<vmem>>, vector<1x320x768xf32>
      %swap3A_174 = vector.shape_cast %swap3A_173 : vector<1x320x768xf32> to vector<320x768xf32>
      %swap3A_175 = vector.shape_cast %add3A_170 : vector<320x768xf32> to vector<1x320x768xf32>
      tpu.vector_store %arg6[%swap3A, %swap3A_171, %swap3A_172], %swap3A_175 {strides = array<i32>} : memref<3x320x768xf32, #tpu.memory_space<vmem>>, vector<1x320x768xf32>,
    } else {
    }
    %eq3A = arith.constant 0 : i32
    %eq3A_3 = arith.cmpi eq, %arg1, %eq3A : i32
    %convert_element_type3A_4 = arith.extui %eq3A_3 : i1 to i32
    %cond3A_5 = arith.constant 0 : i32
    %cond3A_6 = arith.cmpi ne, %convert_element_type3A_4, %cond3A_5 : i32
    scf.if %cond3A_6 {
      %broadcast_in_dim3A = arith.constant 0.000000e+00 : f32
      %broadcast_in_dim3A_16 = vector.broadcast %broadcast_in_dim3A : f32 to vector<320x768xf32>
      %swap3A = arith.constant 2 : index
      %swap3A_17 = arith.constant 0 : index
      %swap3A_18 = arith.constant 0 : index
      %swap3A_19 = vector.load %arg6[%swap3A, %swap3A_17, %swap3A_18] : memref<3x320x768xf32, #tpu.memory_space<vmem>>, vector<1x320x768xf32>
      %swap3A_20 = vector.shape_cast %swap3A_19 : vector<1x320x768xf32> to vector<320x768xf32>
      %swap3A_21 = vector.shape_cast %broadcast_in_dim3A_16 : vector<320x768xf32> to vector<1x320x768xf32>
      tpu.vector_store %arg6[%swap3A, %swap3A_17, %swap3A_18], %swap3A_21 {strides = array<i32>} : memref<3x320x768xf32, #tpu.memory_space<vmem>>, vector<1x320x768xf32>,
    } else {
    }
    %eq3A_7 = arith.constant 48 : i32
    %eq3A_8 = arith.cmpi eq, %arg1, %eq3A_7 : i32
    %convert_element_type3A_9 = arith.extui %eq3A_8 : i1 to i32
    %cond3A_10 = arith.constant 0 : i32
    %cond3A_11 = arith.cmpi ne, %convert_element_type3A_9, %cond3A_10 : i32
    scf.if %cond3A_11 {
      %broadcast_in_dim3A = arith.constant 0.000000e+00 : f32
      %broadcast_in_dim3A_16 = vector.broadcast %broadcast_in_dim3A : f32 to vector<320x768xf32>
      %swap3A = arith.constant 0 : index
      %swap3A_17 = arith.constant 0 : index
      %swap3A_18 = arith.constant 0 : index
      %swap3A_19 = vector.load %arg6[%swap3A, %swap3A_17, %swap3A_18] : memref<3x320x768xf32, #tpu.memory_space<vmem>>, vector<1x320x768xf32>
      %swap3A_20 = vector.shape_cast %swap3A_19 : vector<1x320x768xf32> to vector<320x768xf32>
      %swap3A_21 = vector.shape_cast %broadcast_in_dim3A_16 : vector<320x768xf32> to vector<1x320x768xf32>
      tpu.vector_store %arg6[%swap3A, %swap3A_17, %swap3A_18], %swap3A_21 {strides = array<i32>} : memref<3x320x768xf32, #tpu.memory_space<vmem>>, vector<1x320x768xf32>,
    } else {
    }
    %ge3A = arith.constant 1 : i32
    %ge3A_12 = arith.cmpi sge, %arg1, %ge3A : i32
    %convert_element_type3A_13 = arith.extui %ge3A_12 : i1 to i32
    %cond3A_14 = arith.constant 0 : i32
    %cond3A_15 = arith.cmpi ne, %convert_element_type3A_13, %cond3A_14 : i32
    scf.if %cond3A_15 {
      %add3A = arith.constant 1 : i32
      %add3A_16 = arith.addi %arg1, %add3A : i32
      %rem3A_17 = arith.constant 3 : i32
      %rem3A_18 = arith.remsi %add3A_16, %rem3A_17 : i32
      %add3A_19 = arith.constant 2 : i32
      %add3A_20 = arith.addi %arg1, %add3A_19 : i32
      %rem3A_21 = arith.constant 3 : i32
      %rem3A_22 = arith.remsi %add3A_20, %rem3A_21 : i32
      %get3A = arith.index_cast %rem3A_18 : i32 to index
      %get3A_23 = arith.constant 0 : index
      %get3A_24 = arith.constant 0 : index
      %get3A_25 = vector.load %arg6[%get3A, %get3A_23, %get3A_24] : memref<3x320x768xf32, #tpu.memory_space<vmem>>, vector<1x320x768xf32>
      %get3A_26 = vector.shape_cast %get3A_25 : vector<1x320x768xf32> to vector<320x768xf32>
      %slice3A = vector.extract_strided_slice %get3A_26 {offsets = [0, 0], sizes = [320, 32], strides = [1, 1]} : vector<320x768xf32> to vector<320x32xf32>
      %slice3A_27 = vector.extract_strided_slice %get3A_26 {offsets = [0, 96], sizes = [320, 32], strides = [1, 1]} : vector<320x768xf32> to vector<320x32xf32>
      %slice3A_28 = vector.extract_strided_slice %get3A_26 {offsets = [0, 192], sizes = [320, 32], strides = [1, 1]} : vector<320x768xf32> to vector<320x32xf32>
      %slice3A_29 = vector.extract_strided_slice %get3A_26 {offsets = [0, 288], sizes = [320, 32], strides = [1, 1]} : vector<320x768xf32> to vector<320x32xf32>
      %concatenate3A = tpu.concatenate %slice3A, %slice3A_27, %slice3A_28, %slice3A_29 in 1 : vector<320x32xf32>, vector<320x32xf32>, vector<320x32xf32>, vector<320x32xf32> -> vector<320x128xf32>
      %get3A_30 = arith.index_cast %rem3A_22 : i32 to index
      %get3A_31 = arith.constant 0 : index
      %get3A_32 = arith.constant 0 : index
      %get3A_33 = vector.load %arg6[%get3A_30, %get3A_31, %get3A_32] : memref<3x320x768xf32, #tpu.memory_space<vmem>>, vector<1x320x768xf32>
      %get3A_34 = vector.shape_cast %get3A_33 : vector<1x320x768xf32> to vector<320x768xf32>
      %slice3A_35 = vector.extract_strided_slice %get3A_34 {offsets = [0, 32], sizes = [320, 32], strides = [1, 1]} : vector<320x768xf32> to vector<320x32xf32>
      %slice3A_36 = vector.extract_strided_slice %get3A_34 {offsets = [0, 128], sizes = [320, 32], strides = [1, 1]} : vector<320x768xf32> to vector<320x32xf32>
      %slice3A_37 = vector.extract_strided_slice %get3A_34 {offsets = [0, 224], sizes = [320, 32], strides = [1, 1]} : vector<320x768xf32> to vector<320x32xf32>
      %slice3A_38 = vector.extract_strided_slice %get3A_34 {offsets = [0, 320], sizes = [320, 32], strides = [1, 1]} : vector<320x768xf32> to vector<320x32xf32>
      %concatenate3A_39 = tpu.concatenate %slice3A_35, %slice3A_36, %slice3A_37, %slice3A_38 in 1 : vector<320x32xf32>, vector<320x32xf32>, vector<320x32xf32>, vector<320x32xf32> -> vector<320x128xf32>
      %add3A_40 = arith.addf %concatenate3A, %concatenate3A_39 : vector<320x128xf32>
      %get3A_41 = arith.index_cast %rem3A_0 : i32 to index
      %get3A_42 = arith.constant 0 : index
      %get3A_43 = arith.constant 0 : index
      %get3A_44 = vector.load %arg6[%get3A_41, %get3A_42, %get3A_43] : memref<3x320x768xf32, #tpu.memory_space<vmem>>, vector<1x320x768xf32>
      %get3A_45 = vector.shape_cast %get3A_44 : vector<1x320x768xf32> to vector<320x768xf32>
      %slice3A_46 = vector.extract_strided_slice %get3A_45 {offsets = [0, 64], sizes = [320, 32], strides = [1, 1]} : vector<320x768xf32> to vector<320x32xf32>
      %slice3A_47 = vector.extract_strided_slice %get3A_45 {offsets = [0, 160], sizes = [320, 32], strides = [1, 1]} : vector<320x768xf32> to vector<320x32xf32>
      %slice3A_48 = vector.extract_strided_slice %get3A_45 {offsets = [0, 256], sizes = [320, 32], strides = [1, 1]} : vector<320x768xf32> to vector<320x32xf32>
      %slice3A_49 = vector.extract_strided_slice %get3A_45 {offsets = [0, 352], sizes = [320, 32], strides = [1, 1]} : vector<320x768xf32> to vector<320x32xf32>
      %concatenate3A_50 = tpu.concatenate %slice3A_46, %slice3A_47, %slice3A_48, %slice3A_49 in 1 : vector<320x32xf32>, vector<320x32xf32>, vector<320x32xf32>, vector<320x32xf32> -> vector<320x128xf32>
      %add3A_51 = arith.addf %add3A_40, %concatenate3A_50 : vector<320x128xf32>
      %get3A_52 = arith.constant 0 : index
      %get3A_53 = arith.constant 0 : index
      %get3A_54 = vector.load %arg4[%get3A_52, %get3A_53] : memref<1x128xf32, #tpu.memory_space<vmem>>, vector<1x128xf32>
      %add3A_55 = vector.broadcast %get3A_54 : vector<1x128xf32> to vector<320x128xf32>
      %add3A_56 = arith.addf %add3A_51, %add3A_55 : vector<320x128xf32>
      %max3A = arith.constant 0.000000e+00 : f32
      %max3A_57 = vector.broadcast %max3A : f32 to vector<320x128xf32>
      %max3A_58 = arith.maximumf %add3A_56, %max3A_57 : vector<320x128xf32>
      %swap3A = arith.constant 0 : index
      %swap3A_59 = arith.constant 0 : index
      %swap3A_60 = arith.constant 0 : index
      %swap3A_61 = arith.constant 0 : index
      %swap3A_62 = arith.constant 0 : index
      %swap3A_63 = vector.load %arg5[%swap3A, %swap3A_59, %swap3A_60, %swap3A_61, %swap3A_62] : memref<1x1x2x320x128xf32, #tpu.memory_space<vmem>>, vector<1x1x1x320x128xf32>
      %swap3A_64 = vector.shape_cast %swap3A_63 : vector<1x1x1x320x128xf32> to vector<320x128xf32>
      %swap3A_65 = vector.shape_cast %max3A_58 : vector<320x128xf32> to vector<1x1x1x320x128xf32>
      tpu.vector_store %arg5[%swap3A, %swap3A_59, %swap3A_60, %swap3A_61, %swap3A_62], %swap3A_65 {strides = array<i32>} : memref<1x1x2x320x128xf32, #tpu.memory_space<vmem>>, vector<1x1x1x320x128xf32>,
      %get3A_66 = arith.index_cast %rem3A_18 : i32 to index
      %get3A_67 = arith.constant 0 : index
      %get3A_68 = arith.constant 0 : index
      %get3A_69 = vector.load %arg6[%get3A_66, %get3A_67, %get3A_68] : memref<3x320x768xf32, #tpu.memory_space<vmem>>, vector<1x320x768xf32>
      %get3A_70 = vector.shape_cast %get3A_69 : vector<1x320x768xf32> to vector<320x768xf32>
      %slice3A_71 = vector.extract_strided_slice %get3A_70 {offsets = [0, 384], sizes = [320, 32], strides = [1, 1]} : vector<320x768xf32> to vector<320x32xf32>
      %slice3A_72 = vector.extract_strided_slice %get3A_70 {offsets = [0, 480], sizes = [320, 32], strides = [1, 1]} : vector<320x768xf32> to vector<320x32xf32>
      %slice3A_73 = vector.extract_strided_slice %get3A_70 {offsets = [0, 576], sizes = [320, 32], strides = [1, 1]} : vector<320x768xf32> to vector<320x32xf32>
      %slice3A_74 = vector.extract_strided_slice %get3A_70 {offsets = [0, 672], sizes = [320, 32], strides = [1, 1]} : vector<320x768xf32> to vector<320x32xf32>
      %concatenate3A_75 = tpu.concatenate %slice3A_71, %slice3A_72, %slice3A_73, %slice3A_74 in 1 : vector<320x32xf32>, vector<320x32xf32>, vector<320x32xf32>, vector<320x32xf32> -> vector<320x128xf32>
      %get3A_76 = arith.index_cast %rem3A_22 : i32 to index
      %get3A_77 = arith.constant 0 : index
      %get3A_78 = arith.constant 0 : index
      %get3A_79 = vector.load %arg6[%get3A_76, %get3A_77, %get3A_78] : memref<3x320x768xf32, #tpu.memory_space<vmem>>, vector<1x320x768xf32>
      %get3A_80 = vector.shape_cast %get3A_79 : vector<1x320x768xf32> to vector<320x768xf32>
      %slice3A_81 = vector.extract_strided_slice %get3A_80 {offsets = [0, 416], sizes = [320, 32], strides = [1, 1]} : vector<320x768xf32> to vector<320x32xf32>
      %slice3A_82 = vector.extract_strided_slice %get3A_80 {offsets = [0, 512], sizes = [320, 32], strides = [1, 1]} : vector<320x768xf32> to vector<320x32xf32>
      %slice3A_83 = vector.extract_strided_slice %get3A_80 {offsets = [0, 608], sizes = [320, 32], strides = [1, 1]} : vector<320x768xf32> to vector<320x32xf32>
      %slice3A_84 = vector.extract_strided_slice %get3A_80 {offsets = [0, 704], sizes = [320, 32], strides = [1, 1]} : vector<320x768xf32> to vector<320x32xf32>
      %concatenate3A_85 = tpu.concatenate %slice3A_81, %slice3A_82, %slice3A_83, %slice3A_84 in 1 : vector<320x32xf32>, vector<320x32xf32>, vector<320x32xf32>, vector<320x32xf32> -> vector<320x128xf32>
      %add3A_86 = arith.addf %concatenate3A_75, %concatenate3A_85 : vector<320x128xf32>
      %get3A_87 = arith.index_cast %rem3A_0 : i32 to index
      %get3A_88 = arith.constant 0 : index
      %get3A_89 = arith.constant 0 : index
      %get3A_90 = vector.load %arg6[%get3A_87, %get3A_88, %get3A_89] : memref<3x320x768xf32, #tpu.memory_space<vmem>>, vector<1x320x768xf32>
      %get3A_91 = vector.shape_cast %get3A_90 : vector<1x320x768xf32> to vector<320x768xf32>
      %slice3A_92 = vector.extract_strided_slice %get3A_91 {offsets = [0, 448], sizes = [320, 32], strides = [1, 1]} : vector<320x768xf32> to vector<320x32xf32>
      %slice3A_93 = vector.extract_strided_slice %get3A_91 {offsets = [0, 544], sizes = [320, 32], strides = [1, 1]} : vector<320x768xf32> to vector<320x32xf32>
      %slice3A_94 = vector.extract_strided_slice %get3A_91 {offsets = [0, 640], sizes = [320, 32], strides = [1, 1]} : vector<320x768xf32> to vector<320x32xf32>
      %slice3A_95 = vector.extract_strided_slice %get3A_91 {offsets = [0, 736], sizes = [320, 32], strides = [1, 1]} : vector<320x768xf32> to vector<320x32xf32>
      %concatenate3A_96 = tpu.concatenate %slice3A_92, %slice3A_93, %slice3A_94, %slice3A_95 in 1 : vector<320x32xf32>, vector<320x32xf32>, vector<320x32xf32>, vector<320x32xf32> -> vector<320x128xf32>
      %add3A_97 = arith.addf %add3A_86, %concatenate3A_96 : vector<320x128xf32>
      %get3A_98 = arith.constant 0 : index
      %get3A_99 = arith.constant 0 : index
      %get3A_100 = vector.load %arg4[%get3A_98, %get3A_99] : memref<1x128xf32, #tpu.memory_space<vmem>>, vector<1x128xf32>
      %add3A_101 = vector.broadcast %get3A_100 : vector<1x128xf32> to vector<320x128xf32>
      %add3A_102 = arith.addf %add3A_97, %add3A_101 : vector<320x128xf32>
      %max3A_103 = arith.constant 0.000000e+00 : f32
      %max3A_104 = vector.broadcast %max3A_103 : f32 to vector<320x128xf32>
      %max3A_105 = arith.maximumf %add3A_102, %max3A_104 : vector<320x128xf32>
      %swap3A_106 = arith.constant 0 : index
      %swap3A_107 = arith.constant 0 : index
      %swap3A_108 = arith.constant 1 : index
      %swap3A_109 = arith.constant 0 : index
      %swap3A_110 = arith.constant 0 : index
      %swap3A_111 = vector.load %arg5[%swap3A_106, %swap3A_107, %swap3A_108, %swap3A_109, %swap3A_110] : memref<1x1x2x320x128xf32, #tpu.memory_space<vmem>>, vector<1x1x1x320x128xf32>
      %swap3A_112 = vector.shape_cast %swap3A_111 : vector<1x1x1x320x128xf32> to vector<320x128xf32>
      %swap3A_113 = vector.shape_cast %max3A_105 : vector<320x128xf32> to vector<1x1x1x320x128xf32>
      tpu.vector_store %arg5[%swap3A_106, %swap3A_107, %swap3A_108, %swap3A_109, %swap3A_110], %swap3A_113 {strides = array<i32>} : memref<1x1x2x320x128xf32, #tpu.memory_space<vmem>>, vector<1x1x1x320x128xf32>,
    } else {
    }
    return
  }
  func.func @transform_0(%arg0: i32, %arg1: i32) -> (i32, i32, i32, i32) {
    %min3A = arith.constant 47 : i32
    %min3A_0 = arith.minsi %arg1, %min3A : i32
    %c0_i32 = arith.constant 0 : i32
    %c0_i32_1 = arith.constant 0 : i32
    %c0_i32_2 = arith.constant 0 : i32
    return %arg0, %min3A_0, %c0_i32, %c0_i32_1 : i32, i32, i32, i32
  }
  func.func @transform_1(%arg0: i32, %arg1: i32) -> (i32, i32, i32) {
    %c0_i32 = arith.constant 0 : i32
    %c0_i32_0 = arith.constant 0 : i32
    %c0_i32_1 = arith.constant 0 : i32
    %c0_i32_2 = arith.constant 0 : i32
    return %c0_i32, %c0_i32_0, %c0_i32_1 : i32, i32, i32
  }
  func.func @transform_2(%arg0: i32, %arg1: i32) -> (i32, i32) {
    %c0_i32 = arith.constant 0 : i32
    %c0_i32_0 = arith.constant 0 : i32
    %c0_i32_1 = arith.constant 0 : i32
    return %c0_i32, %c0_i32_0 : i32, i32
  }
  func.func @transform_3(%arg0: i32, %arg1: i32) -> (i32, i32, i32, i32, i32) {
    %sub3A = arith.constant 1 : i32
    %sub3A_0 = arith.subi %arg1, %sub3A : i32
    %max3A = arith.constant 0 : i32
    %max3A_1 = arith.maxsi %sub3A_0, %max3A : i32
    %c0_i32 = arith.constant 0 : i32
    %c0_i32_2 = arith.constant 0 : i32
    %c0_i32_3 = arith.constant 0 : i32
    %c0_i32_4 = arith.constant 0 : i32
    return %arg0, %max3A_1, %c0_i32, %c0_i32_2, %c0_i32_3 : i32, i32, i32, i32, i32
  }
}

module attributes {stable_mosaic.version = 14 : i64} {
  func.func @_bn_body(%arg0: memref<20480x128xf32, #tpu.memory_space<vmem>>, %arg1: memref<1x32xf32, #tpu.memory_space<vmem>>, %arg2: memref<1x32xf32, #tpu.memory_space<vmem>>, %arg3: memref<20000x128xf32, #tpu.memory_space<vmem>>) attributes {dimension_semantics = [], scalar_prefetch = 0 : i64, scratch_operands = 0 : i64, tpu.core_type = #tpu.core_type<tc>} {
    %get3A = arith.constant 0 : index
    %get3A_0 = arith.constant 0 : index
    %get3A_1 = vector.load %arg0[%get3A, %get3A_0] : memref<20480x128xf32, #tpu.memory_space<vmem>>, vector<20480x128xf32>
    %iota3A = tpu.iota {dimensions = array<i32: 0>} : vector<20480x1xi32>
    %lt3A = arith.constant 20000 : i32
    %lt3A_2 = vector.broadcast %lt3A : i32 to vector<20480x1xi32>
    %lt3A_3 = arith.cmpi slt, %iota3A, %lt3A_2 : vector<20480x1xi32>
    %jit3A = arith.constant 0.000000e+00 : f32
    %broadcast_in_dim3A = vector.shape_cast %lt3A_3 : vector<20480x1xi1> to vector<20480x1xi1>
    %broadcast_in_dim3A_4 = vector.broadcast %broadcast_in_dim3A : vector<20480x1xi1> to vector<20480x128xi1>
    %broadcast_in_dim3A_5 = vector.broadcast %jit3A : f32 to vector<20480x128xf32>
    %select_n3A = arith.select %broadcast_in_dim3A_4, %get3A_1, %broadcast_in_dim3A_5 : vector<20480x128xi1>, vector<20480x128xf32>
    %reduce_sum3A = arith.constant dense<0.000000e+00> : vector<128xf32>
    %reduce_sum3A_6 = vector.multi_reduction <add>, %select_n3A, %reduce_sum3A [0] : vector<20480x128xf32> to vector<128xf32>
    %broadcast_in_dim3A_7 = vector.shape_cast %reduce_sum3A_6 : vector<128xf32> to vector<1x128xf32>
    %mul3A = arith.mulf %select_n3A, %select_n3A : vector<20480x128xf32>
    %reduce_sum3A_8 = arith.constant dense<0.000000e+00> : vector<128xf32>
    %reduce_sum3A_9 = vector.multi_reduction <add>, %mul3A, %reduce_sum3A_8 [0] : vector<20480x128xf32> to vector<128xf32>
    %broadcast_in_dim3A_10 = vector.shape_cast %reduce_sum3A_9 : vector<128xf32> to vector<1x128xf32>
    %slice3A = vector.extract_strided_slice %broadcast_in_dim3A_7 {offsets = [0, 0], sizes = [1, 32], strides = [1, 1]} : vector<1x128xf32> to vector<1x32xf32>
    %slice3A_11 = vector.extract_strided_slice %broadcast_in_dim3A_7 {offsets = [0, 32], sizes = [1, 32], strides = [1, 1]} : vector<1x128xf32> to vector<1x32xf32>
    %add3A = arith.addf %slice3A, %slice3A_11 : vector<1x32xf32>
    %slice3A_12 = vector.extract_strided_slice %broadcast_in_dim3A_7 {offsets = [0, 64], sizes = [1, 32], strides = [1, 1]} : vector<1x128xf32> to vector<1x32xf32>
    %slice3A_13 = vector.extract_strided_slice %broadcast_in_dim3A_7 {offsets = [0, 96], sizes = [1, 32], strides = [1, 1]} : vector<1x128xf32> to vector<1x32xf32>
    %add3A_14 = arith.addf %slice3A_12, %slice3A_13 : vector<1x32xf32>
    %add3A_15 = arith.addf %add3A, %add3A_14 : vector<1x32xf32>
    %slice3A_16 = vector.extract_strided_slice %broadcast_in_dim3A_10 {offsets = [0, 0], sizes = [1, 32], strides = [1, 1]} : vector<1x128xf32> to vector<1x32xf32>
    %slice3A_17 = vector.extract_strided_slice %broadcast_in_dim3A_10 {offsets = [0, 32], sizes = [1, 32], strides = [1, 1]} : vector<1x128xf32> to vector<1x32xf32>
    %add3A_18 = arith.addf %slice3A_16, %slice3A_17 : vector<1x32xf32>
    %slice3A_19 = vector.extract_strided_slice %broadcast_in_dim3A_10 {offsets = [0, 64], sizes = [1, 32], strides = [1, 1]} : vector<1x128xf32> to vector<1x32xf32>
    %slice3A_20 = vector.extract_strided_slice %broadcast_in_dim3A_10 {offsets = [0, 96], sizes = [1, 32], strides = [1, 1]} : vector<1x128xf32> to vector<1x32xf32>
    %add3A_21 = arith.addf %slice3A_19, %slice3A_20 : vector<1x32xf32>
    %add3A_22 = arith.addf %add3A_18, %add3A_21 : vector<1x32xf32>
    %div3A = arith.constant 8.000000e+04 : f32
    %div3A_23 = vector.broadcast %div3A : f32 to vector<1x32xf32>
    %div3A_24 = arith.divf %add3A_15, %div3A_23 : vector<1x32xf32>
    %div3A_25 = arith.constant 8.000000e+04 : f32
    %div3A_26 = vector.broadcast %div3A_25 : f32 to vector<1x32xf32>
    %div3A_27 = arith.divf %add3A_22, %div3A_26 : vector<1x32xf32>
    %mul3A_28 = arith.mulf %div3A_24, %div3A_24 : vector<1x32xf32>
    %sub3A = arith.subf %div3A_27, %mul3A_28 : vector<1x32xf32>
    %add3A_29 = arith.constant 9.99999974E-6 : f32
    %add3A_30 = vector.broadcast %add3A_29 : f32 to vector<1x32xf32>
    %add3A_31 = arith.addf %sub3A, %add3A_30 : vector<1x32xf32>
    %rsqrt3A = math.rsqrt %add3A_31 : vector<1x32xf32>
    %get3A_32 = arith.constant 0 : index
    %get3A_33 = arith.constant 0 : index
    %get3A_34 = vector.load %arg1[%get3A_32, %get3A_33] : memref<1x32xf32, #tpu.memory_space<vmem>>, vector<1x32xf32>
    %mul3A_35 = arith.mulf %rsqrt3A, %get3A_34 : vector<1x32xf32>
    %get3A_36 = arith.constant 0 : index
    %get3A_37 = arith.constant 0 : index
    %get3A_38 = vector.load %arg2[%get3A_36, %get3A_37] : memref<1x32xf32, #tpu.memory_space<vmem>>, vector<1x32xf32>
    %mul3A_39 = arith.mulf %div3A_24, %mul3A_35 : vector<1x32xf32>
    %sub3A_40 = arith.subf %get3A_38, %mul3A_39 : vector<1x32xf32>
    %concatenate3A = tpu.concatenate %mul3A_35, %mul3A_35, %mul3A_35, %mul3A_35 in 1 : vector<1x32xf32>, vector<1x32xf32>, vector<1x32xf32>, vector<1x32xf32> -> vector<1x128xf32>
    %concatenate3A_41 = tpu.concatenate %sub3A_40, %sub3A_40, %sub3A_40, %sub3A_40 in 1 : vector<1x32xf32>, vector<1x32xf32>, vector<1x32xf32>, vector<1x32xf32> -> vector<1x128xf32>
    %mul3A_42 = vector.broadcast %concatenate3A : vector<1x128xf32> to vector<20480x128xf32>
    %mul3A_43 = arith.mulf %get3A_1, %mul3A_42 : vector<20480x128xf32>
    %add3A_44 = vector.broadcast %concatenate3A_41 : vector<1x128xf32> to vector<20480x128xf32>
    %add3A_45 = arith.addf %mul3A_43, %add3A_44 : vector<20480x128xf32>
    %slice3A_46 = vector.extract_strided_slice %add3A_45 {offsets = [0, 0], sizes = [20000, 128], strides = [1, 1]} : vector<20480x128xf32> to vector<20000x128xf32>
    %swap3A = arith.constant 0 : index
    %swap3A_47 = arith.constant 0 : index
    %swap3A_48 = vector.load %arg3[%swap3A, %swap3A_47] : memref<20000x128xf32, #tpu.memory_space<vmem>>, vector<20000x128xf32>
    tpu.vector_store %arg3[%swap3A, %swap3A_47], %slice3A_46 {strides = array<i32>} : memref<20000x128xf32, #tpu.memory_space<vmem>>, vector<20000x128xf32>,
    return
  }
}

</mosaic_0001>

<sc_bundles>
// kernel: kernel.6.cloned.1.call-start
scs
__scs_entry_jumppad:
0x0: {  	(pc) =	sbr.rel $0x88, $3  }
0x1: {  	(tag) =	ssettag $0x0;
	lr =	simm.s32 $0x1  }
0x2: {  	[smem:$0x3F9A] =	sst lr;
	_ =	strace $0xD0000000  }
0x3: {  	_ = 	snop  }
0x4: {  	_ = 	snop  }
0x5: {  	_ = 	snop  }
0x6: {  	_ = 	snop  }
0x7: {  	_ = 	snop  }
__scs_overlays_trampoline_lowered:
0x8: {  	[smem:$0x3FA9] =	sst s0  }
0x9: {  	[smem:$0x3FAA] =	sst s1  }
0xa: {  	[smem:$0x3FAB] =	sst s2  }
0xb: {  	[smem:$0x3FAC] =	sst s3  }
0xc: {  	[smem:$0x3FAD] =	sst s4  }
0xd: {  	[smem:$0x3FAE] =	sst s5  }
0xe: {  	[smem:$0x3FAF] =	sst s6  }
0xf: {  	[smem:$0x3FB0] =	sst s7  }
0x10: {  	[smem:$0x3FB1] =	sst s8  }
0x11: {  	[smem:$0x3FB2] =	sst s9;
	s0 =	simm.s32 @!p0 $0x0  }
0x12: {  	s1 =	sld [smem:$0x3F98];
	s0 =	simm.s32 @p0 $0x1  }
0x13: {  	[smem:$0x3FB3] =	sst s0;
	s0 =	simm.s32 @!p1 $0x0  }
0x14: {  	s2 =	sld [smem:$0x3F97];
	s0 =	simm.s32 @p1 $0x1  }
0x15: {  	[smem:$0x3FB4] =	sst s0;
	s0 =	simm.s32 @!p2 $0x0  }
0x16: {  	s3 =	sld [smem:$0x3FDB];
	s0 =	simm.s32 @p2 $0x1  }
0x17: {  	s4 =	simm.s32 $0x1BF5;
	[smem:$0x3FB6] =	sst s0  }
0x18: {  	s0 =	sld [smem:$0x3F99];
	_ =	swait.ge [sflag:s4], $0x0  }
0x19: {  	s7 =	sld [smem:$0x3F9A]  }
0x1a: {  	s8 =	sadd.s32 $0xFFFFE003, lr  }
0x1b: {  	s9 =	sadd.s32 $0xFFFFFEF7, lr;
	s5 =	simm.s32 $0xFFFFFFFF;
	p2 =	slt.u32 s8, $0xFFFFF086  }
0x1c: {  	p1 =	slt.u32 s9, $0xF7A;
	s5 =	simm.s32 @!p2 $0x0  }
0x1d: {  	s5 =	simm.s32 @p1 $0x1;
	p0 =	seq.s32 s7, s2  }
0x1e: {  	s7 =	smul.u32 @!p0 $0xF7A, s2;
	p2 =	seq.s32 @!p0 s5, $0x0  }
0x1f: {  	s9 =	smul.u32 $0xF7A, s1;
	s8 =	simm.s32 @!p0 $0x1BF5;
	p2 =	por !p2, p0  }
0x20: {  	[sflag:s8] =	ssyncset.s32 @!p0 $0xFFFFF086;
	s6 =	sadd.s32 @!p0 s3, s7;
	s7 =	simm.s32 @!p0 $0x108  }
0x21: {  	s3 =	sadd.s32 s3, s9;
	s6 =	sadd.s32 @!p0 $0x88, s6;
	s7 =	simm.s32 @p2 $0x1082  }
0x22: {  	[simem:s7], [sflag:s8] =	dma.local @!p0 [hbm:s6], $0xF7A  }
0x23: {  	s9 =	sor.u32 $0xD0000000, s2;
	s6 =	simm.s32 $0x108;
	_ =	swait.ge @!p0 [sflag:s8], $0x0  }
0x24: {  	s3 =	sadd.s32 $0x88, s3;
	s6 =	simm.s32 @!p1 $0x1082;
	[sflag:s4] =	ssyncset.s32 $0xFFFFF086  }
0x25: {  	[simem:s6], [sflag:s4] =	dma.local [hbm:s3], $0xF7A  }
0x26: {  	[smem:$0x3F9A] =	sst s1;
	(tag) =	ssettag s2;
	_ =	strace s9  }
0x27: {  	s1 =	sld [smem:$0x3FAA]  }
0x28: {  	s2 =	sld [smem:$0x3FAB]  }
0x29: {  	s4 =	sld [smem:$0x3FAD]  }
0x2a: {  	p0 =	seq.s32 s5, $0x0;
	s5 =	sld [smem:$0x3FAE]  }
0x2b: {  	s6 =	sld [smem:$0x3FAF]  }
0x2c: {  	s7 =	sld [smem:$0x3FB0]  }
0x2d: {  	s3 =	simm.s32 $0x108;
	s8 =	sld [smem:$0x3FB1]  }
0x2e: {  	s3 =	simm.s32 @!p0 $0x1082;
	s9 =	sld [smem:$0x3FB2]  }
0x2f: {  	lr =	sadd.s32 s0, s3;
	s0 =	sld [smem:$0x3FA9]  }
0x30: {  	s3 =	sld [smem:$0x3FAC]  }
0x31: {  	[smem:$0x3FB5] =	sst s10  }
0x32: {  	s10 =	sld [smem:$0x3FB3];
	_ =	sdelay $0x3  }
0x33: {  	p0 =	seq.s32 s10, $0x1;
	s10 =	sld [smem:$0x3FB5];
	_ =	sdelay $0x3  }
0x34: {  	[smem:$0x3FB5] =	sst s10  }
0x35: {  	s10 =	sld [smem:$0x3FB4];
	_ =	sdelay $0x3  }
0x36: {  	p1 =	seq.s32 s10, $0x1;
	s10 =	sld [smem:$0x3FB5];
	_ =	sdelay $0x3  }
0x37: {  	[smem:$0x3FB5] =	sst s10  }
0x38: {  	s10 =	sld [smem:$0x3FB6]  }
0x39: {  	_ = 	snop;
	(pc) =	sbr.ind lr, $3  }
0x3a: {  	_ = 	snop  }
0x3b: {  	_ = 	snop  }
0x3c: {  	p2 =	seq.s32 s10, $0x1;
	s10 =	sld [smem:$0x3FB5]  }
0x3d: {  	_ =	shalt  }
0x3e: {  	_ =	shalt  }
0x3f: {  	_ =	shalt  }
0x40: {  	_ =	shalt  }
0x41: {  	_ =	shalt  }
0x42: {  	_ =	shalt  }
0x43: {  	_ =	shalt  }
0x44: {  	_ =	shalt  }
0x45: {  	_ =	shalt  }
0x46: {  	_ =	shalt  }
0x47: {  	_ =	shalt  }
0x48: {  	_ =	shalt  }
0x49: {  	_ =	shalt  }
0x4a: {  	_ =	shalt  }
0x4b: {  	_ =	shalt  }
0x4c: {  	_ =	shalt  }
0x4d: {  	_ =	shalt  }
0x4e: {  	_ =	shalt  }
0x4f: {  	_ =	shalt  }
0x50: {  	_ =	shalt  }
0x51: {  	_ =	shalt  }
0x52: {  	_ =	shalt  }
0x53: {  	_ =	shalt  }
0x54: {  	_ =	shalt  }
0x55: {  	_ =	shalt  }
0x56: {  	_ =	shalt  }
0x57: {  	_ =	shalt  }
0x58: {  	_ =	shalt  }
0x59: {  	_ =	shalt  }
0x5a: {  	_ =	shalt  }
0x5b: {  	_ =	shalt  }
0x5c: {  	_ =	shalt  }
0x5d: {  	_ =	shalt  }
0x5e: {  	_ =	shalt  }
0x5f: {  	_ =	shalt  }
0x60: {  	_ =	shalt  }
0x61: {  	_ =	shalt  }
0x62: {  	_ =	shalt  }
0x63: {  	_ =	shalt  }
0x64: {  	_ =	shalt  }
0x65: {  	_ =	shalt  }
0x66: {  	_ =	shalt  }
0x67: {  	_ =	shalt  }
0x68: {  	_ =	shalt  }
0x69: {  	_ =	shalt  }
0x6a: {  	_ =	shalt  }
0x6b: {  	_ =	shalt  }
0x6c: {  	_ =	shalt  }
0x6d: {  	_ =	shalt  }
0x6e: {  	_ =	shalt  }
0x6f: {  	_ =	shalt  }
0x70: {  	_ =	shalt  }
0x71: {  	_ =	shalt  }
0x72: {  	_ =	shalt  }
0x73: {  	_ =	shalt  }
0x74: {  	_ =	shalt  }
0x75: {  	_ =	shalt  }
0x76: {  	_ =	shalt  }
0x77: {  	_ =	shalt  }
0x78: {  	_ =	shalt  }
0x79: {  	_ =	shalt  }
0x7a: {  	_ =	shalt  }
0x7b: {  	_ =	shalt  }
0x7c: {  	_ =	shalt  }
0x7d: {  	_ =	shalt  }
0x7e: {  	_ =	shalt  }
0x7f: {  	_ =	shalt  }
0x80: {  	_ =	shalt  }
0x81: {  	_ =	shalt  }
0x82: {  	_ =	shalt  }
0x83: {  	_ =	shalt  }
0x84: {  	_ =	shalt  }
0x85: {  	_ =	shalt  }
0x86: {  	_ =	shalt  }
0x87: {  	_ =	shalt  }
.Lfunc_end0:
.L_simem_size_0:
called_computation_lowered:
.L_overlay_start_0:
0x88: {  	s2 =	sld [smem:$0x3FD9]  }
0x89: {  	s3 =	sld [smem:$0x3FFE];
	_ =	sdelay $0x1  }
0x8a: {  	s1 =	srdreg.scid  }
0x8b: {  	s0 =	sand.u32 $0x1, s1  }
0x8c: {  	s17 =	sshll.u32 s0, $0xA;
	s2 =	sadd.s32 s3, s2  }
0x8d: {  	s2 =	sadd.s32 s2, s17  }
0x8e: {  	[smem:$0x3FC1] =	sst s2  }
0x8f: {  	_ = 	snop  }
0x90: {  	s2 =	sld [smem:$0x3FD0];
	(tm) =	ssettm $0x1  }
0x91: {  	s18 =	sld [smem:$0x3FFB];
	_ =	sdelay $0x3  }
0x92: {  	_ =	strace s18  }
0x93: {  	s3 =	sld [smem:$0x3FFC];
	_ =	sdelay $0x3  }
0x94: {  	_ =	strace s3  }
0x95: {  	s3 =	sld [smem:$0x3FFD];
	_ =	sdelay $0x3  }
0x96: {  	_ =	strace s3  }
0x97: {  	_ =	strace $0x8FFFFFFF  }
0x98: {  	s19 =	sld [smem:$0x3FDB];
	_ =	sdelay $0x1  }
0x99: {  	s4 =	simm.s32 $_scs_section_size  }
0x9a: {  	s5 =	simm.s32 $_size__tile_overlayer_lowered;
	s6 =	simm.s32 $_tile_overlayer_lowered  }
0x9b: {  	s22 =	simm.s32 $0x1BFF;
	s21 =	sshll.u32 s6, $0x1;
	s3 =	sadd.s32 s4, s19  }
0x9c: {  	s7 =	simm.s32 $0x0;
	s20 =	sshll.u32 s5, $0x1;
	s5 =	sadd.s32 s21, s3  }
0x9d: {  	[timem:s7], [sflag:s22] =	dma.local [hbm:s5], s20  }
0x9e: {  	_ =	swait.ge [sflag:s22], s20  }
0x9f: {  	s4 =	ssub.s32 $0x0, s20;
	[sflag:s22] =	ssyncset.done $0x0  }
0xa0: {  	[sflag:s22] =	ssyncadd.s32 s4;
	_ =	sdelay $0x1  }
0xa1: {  	s23 =	simm.s32 $0x1B8B  }
0xa2: {  	_ =	swait.ge [sflag:s23], $0x1  }
0xa3: {  	[sflag:s23] =	ssyncset.done $0x0  }
0xa4: {  	s25 =	simm.s32 $0x1B8E;
	s24 =	sld [smem:$0x3FFE];
	[sflag:s23] =	ssyncadd.s32 $0xFFFFFFFF  }
0xa5: {  	s26 =	simm.s32 $execute0_lowered;
	[smem:$0x3FD2] =	sst s25  }
0xa6: {  	s5 =	sshll.u32 s26, $0x1;
	_ =	strace $0x80000046;
	[dreg:$0x1] =	wrdreg $0xFFFFFFFF  }
0xa7: {  	s28 =	simm.s32 $_size_execute0_lowered;
	s3 =	sadd.s32 s3, s5;
	[dreg:$0x0] =	wrdreg $0x0  }
0xa8: {  	s5 =	sshll.u32 s28, $0x1;
	[dreg:$0x2] =	wrdreg s3  }
0xa9: {  	[dreg:$0x3] =	wrdreg s5  }
0xaa: {  	[dreg:$0x4] =	wrdreg $0xC0  }
0xab: {  	_ =	task [dreg:s7], $0x5FFFF  }
0xac: {  	[dreg:$0x1] =	wrdreg $0xFFFFFFFF  }
0xad: {  	[dreg:$0x0] =	wrdreg $0x60  }
0xae: {  	[dreg:$0x2] =	wrdreg s2  }
0xaf: {  	[dreg:$0x3] =	wrdreg s24  }
0xb0: {  	[dreg:$0x4] =	wrdreg $0x0  }
0xb1: {  	[dreg:$0x5] =	wrdreg $0x9  }
0xb2: {  	_ =	task.clear_ibuf [dreg:s7], $0x6FFFF;
	_ =	strace $0x90000046  }
0xb3: {  	s29 =	simm.s32 $0x9;
	_ =	strace $0x80000048  }
0xb4: {  	_ =	swait.ge [sflag:s29], $0x1  }
0xb5: {  	[sflag:s29] =	ssyncadd.s32 $0xFFFFFFFF  }
0xb6: {  	_ =	strace $0x90000048  }
0xb7: {  	_ =	sfence  }
0xb8: {  	s30 =	sld [smem:$0x0];
	_ =	sdelay $0x2  }
0xb9: {  	s31 =	sshll.u32 s1, $0xD;
	s1 =	sshrl.u32 s1, $0x2  }
0xba: {  	s3 =	sand.u32 $0x4000, s31;
	s1 =	sadd.s32 s1, s30  }
0xbb: {  	s0 =	sor.u32 s3, s0;
	s1 =	sshll.u32 s1, $0x11  }
0xbc: {  	s0 =	sor.u32 s1, s0  }
0xbd: {  	s0 =	sadd.s32 $0x8F2B, s0  }
0xbe: {  	[sflag:s0] =	ssyncadd.remote.s32 $0x1  }
0xbf: {  	_ =	sfence.sel $0xFFFF  }
0xc0: {  	[dreg:$0x0] =	wrdreg $0xFFFFFFFF;
	(pc) =	sbr.abs _section_cstart, $3  }
0xc1: {  	[dreg:$0x1] =	wrdreg $0xFFFFFFFF  }
0xc2: {  	_ =	task.clear_ibuf [dreg:s7], $0x2FFFF;
	_ =	strace $0x9FFFFFFF  }
0xc3: {  	(tm) =	ssettm $0x7FFFFFFF  }
tec
execute0_lowered:
.L_overlay_start_1:
0x0: {  	(tag) =	ssettag $0x1  }
0x1: {  	s0 =	srdreg.scid;
	s6 =	rddreg [dreg:$0x0]  }
0x2: {  	s9 =	stileid.u32;
	s5 =	rddreg [dreg:$0x1]  }
0x3: {  	s1 =	rddreg [dreg:$0x2];
	s2 =	simm.s32 $0x0;
	s15 =	simm.s32 $0x1  }
0x4: {  	s16 =	simm.s32 $0x80;
	s17 =	simm.s32 $0x2;
	s18 =	simm.s32 $0x1F088  }
0x5: {  	s19 =	simm.s32 $0x1F108;
	s20 =	simm.s32 $0x1F188;
	s7 =	smul.u32 $0x1400, s9  }
0x6: {  	s21 =	simm.s32 $0x1F208;
	s28 =	simm.s32 $0x0;
	s8 =	smul.u32 $0x1E000, s9  }
0x7: {  	s3 =	sand.u32 $0x1, s0;
	[smem:$0x7FF] =	sst s2;
	s12 =	smul.u32 $0x2800, s9  }
0x8: {  	s30 =	sshll.u32 s9, $0x6;
	s14 =	sadd.s32 $0x1E0000, s1;
	s4 =	smul.u32 $0x14000, s3  }
0x9: {  	p0 =	sne.s32 s9, $0x0;
	s10 =	smul.u32 $0x1E0000, s3;
	s25 =	ssub.s32 $0x2, s3  }
0xa: {  	_ =	strace $0x80000047;
	s3 =	sadd.s32 $0x5C00, s5;
	s26 =	sshrl.u32 s25, $0x1  }
0xb: {  	s29 =	sshrl.u32 s8, $0x3;
	s13 =	sadd.s32 s8, s1;
	s31 =	sadd.s32 s12, s6  }
0xc: {  	s12 =	simm.s32 $0x1F008;
	s4 =	sadd.s32 s4, s7;
	s22 =	sadd.s32 s8, s10  }
0xd: {  	s7 =	ssub.s32 s25, s26;
	[dreg:$0x4] =	wrdreg s31;
	s9 =	sshrl.u32 s13, $0x3  }
0xe: {  	s10 =	simm.s32 $0x3;
	s13 =	simm.s32 $0x1E008;
	s25 =	simm.s32 $0x1F408  }
0xf: {  	s26 =	simm.s32 $0x1F488;
	s4 =	sshrl.u32 s4, $0x3;
	s24 =	sshrl.u32 s22, $0x3  }
0x10: {  	s7 =	smax.u32 s7, $0x1;
	s22 =	simm.s32 $0x1F288;
	s23 =	sadd.s32 s4, s5  }
0x11: {  	s11 =	sadd.s32 s24, s5;
	s4 =	sadd.s32 s3, s29;
	s5 =	sor.u32 $0x1C03, s30  }
0x12: {  	s24 =	simm.s32 $0x1F388;
	s6 =	sadd.s32 $0x9800, s11;
	s8 =	sadd.s32 $0xC00, s23  }
0x13: {  	s11 =	sshrl.u32 @!p0 s14, $0x3;
	s14 =	simm.s32 $0x1E808;
	s23 =	simm.s32 $0x1F308  }
.LBB2_1:
0x14: {  	[spmem:s9], [sflag:s5] =	dma.local [hbm:s4], $0x3C00  }
0x15: {  	_ =	swait.ge [sflag:s10], $0x3C00  }
0x16: {  	[sflag:s10] =	ssyncset.done $0x0  }
0x17: {  	s29 =	simm.s32 @!p0 $0x3;
	[sflag:s10] =	ssyncadd.s32 $0xFFFFC400  }
0x18: {  	[spmem:s11], [sflag:s5] =	dma.local @!p0 [hbm:s3], $0x10  }
0x19: {  	_ =	swait.ge @!p0 [sflag:s29], $0x10  }
0x1a: {  	[sflag:s29] =	ssyncset.done @!p0 $0x0  }
0x1b: {  	[sflag:s29] =	ssyncadd.s32 @!p0 $0xFFFFFFF0  }
0x1c: {  	[bflag:$0x0] =	sbarrier.arrive $0xFFFF  }
0x1d: {  	[tilespmem:s12], [sflag:$0x3] =	stream.linear.gather [hbm4b:s8+s2], $0x500, $0x38;
	[tilespmem:$0x1F508] =	vst v63  }
0x1e: {  	_ =	swait.ge [sflag:s10], $0x500  }
0x1f: {  	s29 =	rddreg [dreg:$0x4];
	[sflag:s10] =	ssyncset.done $0x0  }
0x20: {  	[sflag:s10] =	ssyncadd.s32 $0xFFFFFB00;
	s29 =	sadd.s32 $0x0, s29  }
0x21: {  	[tilespmem:s13], [sflag:$0x1] =	stream.linear.gather [hbm4b:s29+s2], $0x800, $0x38;
	[tilespmem:$0x1F508] =	vst v63  }
0x22: {  	s30 =	sadd.s32 $0x100, s29  }
0x23: {  	[tilespmem:s14], [sflag:$0x1] =	stream.linear.gather [hbm4b:s30+s2], $0x800, $0x38;
	[tilespmem:$0x1F508] =	vst v63  }
0x24: {  	_ =	swait.ge [sflag:s15], $0x800  }
0x25: {  	[sflag:s15] =	ssyncset.done $0x0  }
0x26: {  	[sflag:s15] =	ssyncadd.s32 $0xFFFFF800  }
0x27: {  	[spmem:s1] =	stream.indirect.scatter.add.f32 [tilespmem:s13], [sflag:$0x2], $0x10, s12, s16, $0xb8;
	[tilespmem:$0x1F508] =	vst v63  }
0x28: {  	_ =	swait.ge [sflag:s17], $0x800  }
0x29: {  	[sflag:s17] =	ssyncset.done $0x0  }
0x2a: {  	s30 =	sadd.s32 $0x200, s29;
	[sflag:s17] =	ssyncadd.s32 $0xFFFFF800  }
0x2b: {  	[tilespmem:s13], [sflag:$0x1] =	stream.linear.gather [hbm4b:s30+s2], $0x800, $0x38;
	[tilespmem:$0x1F508] =	vst v63  }
0x2c: {  	_ =	swait.ge [sflag:s15], $0x800  }
0x2d: {  	[sflag:s15] =	ssyncset.done $0x0  }
0x2e: {  	[sflag:s15] =	ssyncadd.s32 $0xFFFFF800  }
0x2f: {  	[spmem:s1] =	stream.indirect.scatter.add.f32 [tilespmem:s14], [sflag:$0x2], $0x10, s18, s16, $0xb8;
	[tilespmem:$0x1F508] =	vst v63  }
0x30: {  	_ =	swait.ge [sflag:s17], $0x800  }
0x31: {  	[sflag:s17] =	ssyncset.done $0x0  }
0x32: {  	s30 =	sadd.s32 $0x300, s29;
	[sflag:s17] =	ssyncadd.s32 $0xFFFFF800  }
0x33: {  	[tilespmem:s14], [sflag:$0x1] =	stream.linear.gather [hbm4b:s30+s2], $0x800, $0x38;
	[tilespmem:$0x1F508] =	vst v63  }
0x34: {  	_ =	swait.ge [sflag:s15], $0x800  }
0x35: {  	[sflag:s15] =	ssyncset.done $0x0  }
0x36: {  	[sflag:s15] =	ssyncadd.s32 $0xFFFFF800  }
0x37: {  	[spmem:s1] =	stream.indirect.scatter.add.f32 [tilespmem:s13], [sflag:$0x2], $0x10, s19, s16, $0xb8;
	[tilespmem:$0x1F508] =	vst v63  }
0x38: {  	_ =	swait.ge [sflag:s17], $0x800  }
0x39: {  	[sflag:s17] =	ssyncset.done $0x0  }
0x3a: {  	s30 =	sadd.s32 $0x400, s29;
	[sflag:s17] =	ssyncadd.s32 $0xFFFFF800  }
0x3b: {  	[tilespmem:s13], [sflag:$0x1] =	stream.linear.gather [hbm4b:s30+s2], $0x800, $0x38;
	[tilespmem:$0x1F508] =	vst v63  }
0x3c: {  	_ =	swait.ge [sflag:s15], $0x800  }
0x3d: {  	[sflag:s15] =	ssyncset.done $0x0  }
0x3e: {  	[sflag:s15] =	ssyncadd.s32 $0xFFFFF800  }
0x3f: {  	[spmem:s1] =	stream.indirect.scatter.add.f32 [tilespmem:s14], [sflag:$0x2], $0x10, s20, s16, $0xb8;
	[tilespmem:$0x1F508] =	vst v63  }
0x40: {  	_ =	swait.ge [sflag:s17], $0x800  }
0x41: {  	[sflag:s17] =	ssyncset.done $0x0  }
0x42: {  	s30 =	sadd.s32 $0x500, s29;
	[sflag:s17] =	ssyncadd.s32 $0xFFFFF800  }
0x43: {  	[tilespmem:s14], [sflag:$0x1] =	stream.linear.gather [hbm4b:s30+s2], $0x800, $0x38;
	[tilespmem:$0x1F508] =	vst v63  }
0x44: {  	_ =	swait.ge [sflag:s15], $0x800  }
0x45: {  	[sflag:s15] =	ssyncset.done $0x0  }
0x46: {  	[sflag:s15] =	ssyncadd.s32 $0xFFFFF800  }
0x47: {  	[spmem:s1] =	stream.indirect.scatter.add.f32 [tilespmem:s13], [sflag:$0x2], $0x10, s21, s16, $0xb8;
	[tilespmem:$0x1F508] =	vst v63  }
0x48: {  	_ =	swait.ge [sflag:s17], $0x800  }
0x49: {  	[sflag:s17] =	ssyncset.done $0x0  }
0x4a: {  	s30 =	sadd.s32 $0x600, s29;
	[sflag:s17] =	ssyncadd.s32 $0xFFFFF800  }
0x4b: {  	[tilespmem:s13], [sflag:$0x1] =	stream.linear.gather [hbm4b:s30+s2], $0x800, $0x38;
	[tilespmem:$0x1F508] =	vst v63  }
0x4c: {  	_ =	swait.ge [sflag:s15], $0x800  }
0x4d: {  	[sflag:s15] =	ssyncset.done $0x0  }
0x4e: {  	[sflag:s15] =	ssyncadd.s32 $0xFFFFF800  }
0x4f: {  	[spmem:s1] =	stream.indirect.scatter.add.f32 [tilespmem:s14], [sflag:$0x2], $0x10, s22, s16, $0xb8;
	[tilespmem:$0x1F508] =	vst v63  }
0x50: {  	_ =	swait.ge [sflag:s17], $0x800  }
0x51: {  	[sflag:s17] =	ssyncset.done $0x0  }
0x52: {  	s30 =	sadd.s32 $0x700, s29;
	[sflag:s17] =	ssyncadd.s32 $0xFFFFF800  }
0x53: {  	[tilespmem:s14], [sflag:$0x1] =	stream.linear.gather [hbm4b:s30+s2], $0x800, $0x38;
	[tilespmem:$0x1F508] =	vst v63  }
0x54: {  	_ =	swait.ge [sflag:s15], $0x800  }
0x55: {  	[sflag:s15] =	ssyncset.done $0x0  }
0x56: {  	[sflag:s15] =	ssyncadd.s32 $0xFFFFF800  }
0x57: {  	[spmem:s1] =	stream.indirect.scatter.add.f32 [tilespmem:s13], [sflag:$0x2], $0x10, s23, s16, $0xb8;
	[tilespmem:$0x1F508] =	vst v63  }
0x58: {  	_ =	swait.ge [sflag:s17], $0x800  }
0x59: {  	[sflag:s17] =	ssyncset.done $0x0  }
0x5a: {  	s30 =	sadd.s32 $0x800, s29;
	[sflag:s17] =	ssyncadd.s32 $0xFFFFF800  }
0x5b: {  	[tilespmem:s13], [sflag:$0x1] =	stream.linear.gather [hbm4b:s30+s2], $0x800, $0x38;
	[tilespmem:$0x1F508] =	vst v63  }
0x5c: {  	_ =	swait.ge [sflag:s15], $0x800  }
0x5d: {  	[sflag:s15] =	ssyncset.done $0x0  }
0x5e: {  	[sflag:s15] =	ssyncadd.s32 $0xFFFFF800  }
0x5f: {  	[spmem:s1] =	stream.indirect.scatter.add.f32 [tilespmem:s14], [sflag:$0x2], $0x10, s24, s16, $0xb8;
	[tilespmem:$0x1F508] =	vst v63  }
0x60: {  	_ =	swait.ge [sflag:s17], $0x800  }
0x61: {  	[sflag:s17] =	ssyncset.done $0x0  }
0x62: {  	s29 =	sadd.s32 $0x900, s29;
	[sflag:s17] =	ssyncadd.s32 $0xFFFFF800  }
0x63: {  	[tilespmem:s14], [sflag:$0x1] =	stream.linear.gather [hbm4b:s29+s2], $0x800, $0x38;
	[tilespmem:$0x1F508] =	vst v63  }
0x64: {  	_ =	swait.ge [sflag:s15], $0x800  }
0x65: {  	[sflag:s15] =	ssyncset.done $0x0  }
0x66: {  	[sflag:s15] =	ssyncadd.s32 $0xFFFFF800  }
0x67: {  	[spmem:s1] =	stream.indirect.scatter.add.f32 [tilespmem:s13], [sflag:$0x2], $0x10, s25, s16, $0xb8;
	[tilespmem:$0x1F508] =	vst v63  }
0x68: {  	_ =	swait.ge [sflag:s17], $0x800  }
0x69: {  	[sflag:s17] =	ssyncset.done $0x0  }
0x6a: {  	[sflag:s17] =	ssyncadd.s32 $0xFFFFF800  }
0x6b: {  	_ =	swait.ge [sflag:s15], $0x800  }
0x6c: {  	[sflag:s15] =	ssyncset.done $0x0  }
0x6d: {  	[sflag:s15] =	ssyncadd.s32 $0xFFFFF800  }
0x6e: {  	[spmem:s1] =	stream.indirect.scatter.add.f32 [tilespmem:s14], [sflag:$0x2], $0x10, s26, s16, $0xb8;
	[tilespmem:$0x1F508] =	vst v63  }
0x6f: {  	_ =	swait.ge [sflag:s17], $0x800  }
0x70: {  	s30 =	smov.u32 s8;
	s29 =	simm.s32 $0xA00;
	[sflag:s17] =	ssyncset.done $0x0  }
.LBB2_2:
0x71: {  	[sflag:s17] =	ssyncadd.s32 $0xFFFFF800;
	s30 =	sadd.s32 $0xA0, s30  }
0x72: {  	[tilespmem:s12], [sflag:$0x3] =	stream.linear.gather [hbm4b:s30+s2], $0x500, $0x38;
	[tilespmem:$0x1F508] =	vst v63  }
0x73: {  	_ =	swait.ge [sflag:s10], $0x500  }
0x74: {  	s31 =	smov.u32 s29;
	s0 =	rddreg [dreg:$0x4];
	[sflag:s10] =	ssyncset.done $0x0  }
0x75: {  	[sflag:s10] =	ssyncadd.s32 $0xFFFFFB00;
	s31 =	sadd.s32 s31, s0  }
0x76: {  	[tilespmem:s13], [sflag:$0x1] =	stream.linear.gather [hbm4b:s31+s2], $0x800, $0x38;
	[tilespmem:$0x1F508] =	vst v63  }
0x77: {  	s0 =	sadd.s32 $0x100, s31  }
0x78: {  	[tilespmem:s14], [sflag:$0x1] =	stream.linear.gather [hbm4b:s0+s2], $0x800, $0x38;
	[tilespmem:$0x1F508] =	vst v63  }
0x79: {  	_ =	swait.ge [sflag:s15], $0x800  }
0x7a: {  	[sflag:s15] =	ssyncset.done $0x0  }
0x7b: {  	[sflag:s15] =	ssyncadd.s32 $0xFFFFF800  }
0x7c: {  	[spmem:s1] =	stream.indirect.scatter.add.f32 [tilespmem:s13], [sflag:$0x2], $0x10, s12, s16, $0xb8;
	[tilespmem:$0x1F508] =	vst v63  }
0x7d: {  	_ =	swait.ge [sflag:s17], $0x800  }
0x7e: {  	[sflag:s17] =	ssyncset.done $0x0  }
0x7f: {  	s0 =	sadd.s32 $0x200, s31;
	[sflag:s17] =	ssyncadd.s32 $0xFFFFF800  }
0x80: {  	[tilespmem:s13], [sflag:$0x1] =	stream.linear.gather [hbm4b:s0+s2], $0x800, $0x38;
	[tilespmem:$0x1F508] =	vst v63  }
0x81: {  	_ =	swait.ge [sflag:s15], $0x800  }
0x82: {  	[sflag:s15] =	ssyncset.done $0x0  }
0x83: {  	[sflag:s15] =	ssyncadd.s32 $0xFFFFF800  }
0x84: {  	[spmem:s1] =	stream.indirect.scatter.add.f32 [tilespmem:s14], [sflag:$0x2], $0x10, s18, s16, $0xb8;
	[tilespmem:$0x1F508] =	vst v63  }
0x85: {  	_ =	swait.ge [sflag:s17], $0x800  }
0x86: {  	[sflag:s17] =	ssyncset.done $0x0  }
0x87: {  	s0 =	sadd.s32 $0x300, s31;
	[sflag:s17] =	ssyncadd.s32 $0xFFFFF800  }
0x88: {  	[tilespmem:s14], [sflag:$0x1] =	stream.linear.gather [hbm4b:s0+s2], $0x800, $0x38;
	[tilespmem:$0x1F508] =	vst v63  }
0x89: {  	_ =	swait.ge [sflag:s15], $0x800  }
0x8a: {  	[sflag:s15] =	ssyncset.done $0x0  }
0x8b: {  	[sflag:s15] =	ssyncadd.s32 $0xFFFFF800  }
0x8c: {  	[spmem:s1] =	stream.indirect.scatter.add.f32 [tilespmem:s13], [sflag:$0x2], $0x10, s19, s16, $0xb8;
	[tilespmem:$0x1F508] =	vst v63  }
0x8d: {  	_ =	swait.ge [sflag:s17], $0x800  }
0x8e: {  	[sflag:s17] =	ssyncset.done $0x0  }
0x8f: {  	s0 =	sadd.s32 $0x400, s31;
	[sflag:s17] =	ssyncadd.s32 $0xFFFFF800  }
0x90: {  	[tilespmem:s13], [sflag:$0x1] =	stream.linear.gather [hbm4b:s0+s2], $0x800, $0x38;
	[tilespmem:$0x1F508] =	vst v63  }
0x91: {  	_ =	swait.ge [sflag:s15], $0x800  }
0x92: {  	[sflag:s15] =	ssyncset.done $0x0  }
0x93: {  	[sflag:s15] =	ssyncadd.s32 $0xFFFFF800  }
0x94: {  	[spmem:s1] =	stream.indirect.scatter.add.f32 [tilespmem:s14], [sflag:$0x2], $0x10, s20, s16, $0xb8;
	[tilespmem:$0x1F508] =	vst v63  }
0x95: {  	_ =	swait.ge [sflag:s17], $0x800  }
0x96: {  	[sflag:s17] =	ssyncset.done $0x0  }
0x97: {  	s0 =	sadd.s32 $0x500, s31;
	[sflag:s17] =	ssyncadd.s32 $0xFFFFF800  }
0x98: {  	[tilespmem:s14], [sflag:$0x1] =	stream.linear.gather [hbm4b:s0+s2], $0x800, $0x38;
	[tilespmem:$0x1F508] =	vst v63  }
0x99: {  	_ =	swait.ge [sflag:s15], $0x800  }
0x9a: {  	[sflag:s15] =	ssyncset.done $0x0  }
0x9b: {  	[sflag:s15] =	ssyncadd.s32 $0xFFFFF800  }
0x9c: {  	[spmem:s1] =	stream.indirect.scatter.add.f32 [tilespmem:s13], [sflag:$0x2], $0x10, s21, s16, $0xb8;
	[tilespmem:$0x1F508] =	vst v63  }
0x9d: {  	_ =	swait.ge [sflag:s17], $0x800  }
0x9e: {  	[sflag:s17] =	ssyncset.done $0x0  }
0x9f: {  	s0 =	sadd.s32 $0x600, s31;
	[sflag:s17] =	ssyncadd.s32 $0xFFFFF800  }
0xa0: {  	[tilespmem:s13], [sflag:$0x1] =	stream.linear.gather [hbm4b:s0+s2], $0x800, $0x38;
	[tilespmem:$0x1F508] =	vst v63  }
0xa1: {  	_ =	swait.ge [sflag:s15], $0x800  }
0xa2: {  	[sflag:s15] =	ssyncset.done $0x0  }
0xa3: {  	[sflag:s15] =	ssyncadd.s32 $0xFFFFF800  }
0xa4: {  	[spmem:s1] =	stream.indirect.scatter.add.f32 [tilespmem:s14], [sflag:$0x2], $0x10, s22, s16, $0xb8;
	[tilespmem:$0x1F508] =	vst v63  }
0xa5: {  	_ =	swait.ge [sflag:s17], $0x800  }
0xa6: {  	[sflag:s17] =	ssyncset.done $0x0  }
0xa7: {  	s0 =	sadd.s32 $0x700, s31;
	[sflag:s17] =	ssyncadd.s32 $0xFFFFF800  }
0xa8: {  	[tilespmem:s14], [sflag:$0x1] =	stream.linear.gather [hbm4b:s0+s2], $0x800, $0x38;
	[tilespmem:$0x1F508] =	vst v63  }
0xa9: {  	_ =	swait.ge [sflag:s15], $0x800  }
0xaa: {  	[sflag:s15] =	ssyncset.done $0x0  }
0xab: {  	[sflag:s15] =	ssyncadd.s32 $0xFFFFF800  }
0xac: {  	[spmem:s1] =	stream.indirect.scatter.add.f32 [tilespmem:s13], [sflag:$0x2], $0x10, s23, s16, $0xb8;
	[tilespmem:$0x1F508] =	vst v63  }
0xad: {  	_ =	swait.ge [sflag:s17], $0x800  }
0xae: {  	[sflag:s17] =	ssyncset.done $0x0  }
0xaf: {  	s0 =	sadd.s32 $0x800, s31;
	[sflag:s17] =	ssyncadd.s32 $0xFFFFF800  }
0xb0: {  	[tilespmem:s13], [sflag:$0x1] =	stream.linear.gather [hbm4b:s0+s2], $0x800, $0x38;
	[tilespmem:$0x1F508] =	vst v63  }
0xb1: {  	_ =	swait.ge [sflag:s15], $0x800  }
0xb2: {  	[sflag:s15] =	ssyncset.done $0x0  }
0xb3: {  	[sflag:s15] =	ssyncadd.s32 $0xFFFFF800  }
0xb4: {  	[spmem:s1] =	stream.indirect.scatter.add.f32 [tilespmem:s14], [sflag:$0x2], $0x10, s24, s16, $0xb8;
	[tilespmem:$0x1F508] =	vst v63  }
0xb5: {  	_ =	swait.ge [sflag:s17], $0x800  }
0xb6: {  	[sflag:s17] =	ssyncset.done $0x0  }
0xb7: {  	s31 =	sadd.s32 $0x900, s31;
	[sflag:s17] =	ssyncadd.s32 $0xFFFFF800  }
0xb8: {  	[tilespmem:s14], [sflag:$0x1] =	stream.linear.gather [hbm4b:s31+s2], $0x800, $0x38;
	[tilespmem:$0x1F508] =	vst v63  }
0xb9: {  	_ =	swait.ge [sflag:s15], $0x800  }
0xba: {  	[sflag:s15] =	ssyncset.done $0x0  }
0xbb: {  	[sflag:s15] =	ssyncadd.s32 $0xFFFFF800  }
0xbc: {  	[spmem:s1] =	stream.indirect.scatter.add.f32 [tilespmem:s13], [sflag:$0x2], $0x10, s25, s16, $0xb8;
	[tilespmem:$0x1F508] =	vst v63  }
0xbd: {  	_ =	swait.ge [sflag:s17], $0x800  }
0xbe: {  	[sflag:s17] =	ssyncset.done $0x0  }
0xbf: {  	[sflag:s17] =	ssyncadd.s32 $0xFFFFF800  }
0xc0: {  	p1 =	sne.s32 s29, $0x1E00;
	_ =	swait.ge [sflag:s15], $0x800  }
.Ltmp0:
0xc1: {  	[sflag:s15] =	ssyncset.done $0x0;
	(pc) =	sbr.rel @p1 .LBB2_2-.Ltmp0, $4  }
0xc2: {  	[sflag:s15] =	ssyncadd.s32 $0xFFFFF800  }
0xc3: {  	[spmem:s1] =	stream.indirect.scatter.add.f32 [tilespmem:s14], [sflag:$0x2], $0x10, s26, s16, $0xb8;
	[tilespmem:$0x1F508] =	vst v63  }
0xc4: {  	_ =	swait.ge [sflag:s17], $0x800  }
0xc5: {  	s29 =	sadd.s32 $0xA00, s29;
	[sflag:s17] =	ssyncset.done $0x0  }
0xc6: {  	s28 =	sadd.s32 $0x1, s28  }
0xc7: {  	[sflag:s17] =	ssyncadd.s32 $0xFFFFF800;
	p1 =	sne.s32 s28, s7  }
.Ltmp1:
0xc8: {  	[bflag:$0x0] =	sbarrier.arrive $0xFFFF;
	(pc) =	sbr.rel @p1 .LBB2_1-.Ltmp1, $4  }
0xc9: {  	[hbm:s6], [sflag:s5] =	dma.local [spmem:s9], $0x3C00  }
0xca: {  	_ =	swait.ge [sflag:s10], $0x3C00  }
0xcb: {  	[sflag:s10] =	ssyncset.done $0x0  }
0xcc: {  	[sflag:s10] =	ssyncadd.s32 $0xFFFFC400  }
0xcd: {  	_ =	sfence.sel $0x180000  }
0xce: {  	[bflag:$0x0] =	sbarrier.arrive $0xFFFF  }
0xcf: {  	_ =	strace $0x90000047  }
0xd0: {  	[bflag:$0x2] =	sbarrier.arrive $0xFFFF  }
0xd1: {  	s0 =	rddreg [dreg:$0x3]  }
0xd2: {  	s0 =	sadd.s32 @!p0 $0x100000, s0  }
0xd3: {  	[sflag:s0] =	ssyncadd.tile.s32 @!p0 $0x1;
	_ =	shalt  }
.Lfunc_end2:
_tile_overlayer_lowered:
.L_overlay_start_2:
0xd4: {  	(tag) =	ssettag $0x2  }
0xd5: {  	s0 =	rddreg [dreg:$0x0];
	s2 =	stileid.u32  }
0xd6: {  	s1 =	rddreg [dreg:$0x1];
	p0 =	sne.s32 s2, $0x0  }
0xd7: {  	s3 =	rddreg [dreg:$0x2];
	[bflag:$0x3] =	sbarrier.arrive $0xFFFF;
	s2 =	simm.s32 @!p0 $0x1C03  }
0xd8: {  	[timem:s3], [sflag:s2] =	dma.local @!p0 [hbm:s0], s1  }
0xd9: {  	s0 =	simm.s32 @!p0 $0x3  }
0xda: {  	_ =	swait.ge @!p0 [sflag:s0], s1  }
0xdb: {  	s1 =	ssub.s32 @!p0 $0x0, s1;
	[sflag:s0] =	ssyncset.done @!p0 $0x0  }
0xdc: {  	[sflag:s0] =	ssyncadd.s32 @!p0 s1  }
0xdd: {  	[bflag:$0x3] =	sbarrier.arrive $0xFFFF  }
0xde: {  	_ =	shalt  }

// kernel: kernel.9.cloned.1.call-start
scs
__scs_entry_jumppad:
0x0: {  	(pc) =	sbr.rel $0x88, $3  }
0x1: {  	(tag) =	ssettag $0x0;
	lr =	simm.s32 $0x1  }
0x2: {  	[smem:$0x3F9A] =	sst lr;
	_ =	strace $0xD0000000  }
0x3: {  	_ = 	snop  }
0x4: {  	_ = 	snop  }
0x5: {  	_ = 	snop  }
0x6: {  	_ = 	snop  }
0x7: {  	_ = 	snop  }
__scs_overlays_trampoline_lowered:
0x8: {  	[smem:$0x3FA9] =	sst s0  }
0x9: {  	[smem:$0x3FAA] =	sst s1  }
0xa: {  	[smem:$0x3FAB] =	sst s2  }
0xb: {  	[smem:$0x3FAC] =	sst s3  }
0xc: {  	[smem:$0x3FAD] =	sst s4  }
0xd: {  	[smem:$0x3FAE] =	sst s5  }
0xe: {  	[smem:$0x3FAF] =	sst s6  }
0xf: {  	[smem:$0x3FB0] =	sst s7  }
0x10: {  	[smem:$0x3FB1] =	sst s8  }
0x11: {  	[smem:$0x3FB2] =	sst s9;
	s0 =	simm.s32 @!p0 $0x0  }
0x12: {  	s1 =	sld [smem:$0x3F98];
	s0 =	simm.s32 @p0 $0x1  }
0x13: {  	[smem:$0x3FB3] =	sst s0;
	s0 =	simm.s32 @!p1 $0x0  }
0x14: {  	s2 =	sld [smem:$0x3F97];
	s0 =	simm.s32 @p1 $0x1  }
0x15: {  	[smem:$0x3FB4] =	sst s0;
	s0 =	simm.s32 @!p2 $0x0  }
0x16: {  	s3 =	sld [smem:$0x3FDB];
	s0 =	simm.s32 @p2 $0x1  }
0x17: {  	s4 =	simm.s32 $0x1BF5;
	[smem:$0x3FB6] =	sst s0  }
0x18: {  	s0 =	sld [smem:$0x3F99];
	_ =	swait.ge [sflag:s4], $0x0  }
0x19: {  	s7 =	sld [smem:$0x3F9A]  }
0x1a: {  	s8 =	sadd.s32 $0xFFFFE003, lr  }
0x1b: {  	s9 =	sadd.s32 $0xFFFFFEF7, lr;
	s5 =	simm.s32 $0xFFFFFFFF;
	p2 =	slt.u32 s8, $0xFFFFF086  }
0x1c: {  	p1 =	slt.u32 s9, $0xF7A;
	s5 =	simm.s32 @!p2 $0x0  }
0x1d: {  	s5 =	simm.s32 @p1 $0x1;
	p0 =	seq.s32 s7, s2  }
0x1e: {  	s7 =	smul.u32 @!p0 $0xF7A, s2;
	p2 =	seq.s32 @!p0 s5, $0x0  }
0x1f: {  	s9 =	smul.u32 $0xF7A, s1;
	s8 =	simm.s32 @!p0 $0x1BF5;
	p2 =	por !p2, p0  }
0x20: {  	[sflag:s8] =	ssyncset.s32 @!p0 $0xFFFFF086;
	s6 =	sadd.s32 @!p0 s3, s7;
	s7 =	simm.s32 @!p0 $0x108  }
0x21: {  	s3 =	sadd.s32 s3, s9;
	s6 =	sadd.s32 @!p0 $0x88, s6;
	s7 =	simm.s32 @p2 $0x1082  }
0x22: {  	[simem:s7], [sflag:s8] =	dma.local @!p0 [hbm:s6], $0xF7A  }
0x23: {  	s9 =	sor.u32 $0xD0000000, s2;
	s6 =	simm.s32 $0x108;
	_ =	swait.ge @!p0 [sflag:s8], $0x0  }
0x24: {  	s3 =	sadd.s32 $0x88, s3;
	s6 =	simm.s32 @!p1 $0x1082;
	[sflag:s4] =	ssyncset.s32 $0xFFFFF086  }
0x25: {  	[simem:s6], [sflag:s4] =	dma.local [hbm:s3], $0xF7A  }
0x26: {  	[smem:$0x3F9A] =	sst s1;
	(tag) =	ssettag s2;
	_ =	strace s9  }
0x27: {  	s1 =	sld [smem:$0x3FAA]  }
0x28: {  	s2 =	sld [smem:$0x3FAB]  }
0x29: {  	s4 =	sld [smem:$0x3FAD]  }
0x2a: {  	p0 =	seq.s32 s5, $0x0;
	s5 =	sld [smem:$0x3FAE]  }
0x2b: {  	s6 =	sld [smem:$0x3FAF]  }
0x2c: {  	s7 =	sld [smem:$0x3FB0]  }
0x2d: {  	s3 =	simm.s32 $0x108;
	s8 =	sld [smem:$0x3FB1]  }
0x2e: {  	s3 =	simm.s32 @!p0 $0x1082;
	s9 =	sld [smem:$0x3FB2]  }
0x2f: {  	lr =	sadd.s32 s0, s3;
	s0 =	sld [smem:$0x3FA9]  }
0x30: {  	s3 =	sld [smem:$0x3FAC]  }
0x31: {  	[smem:$0x3FB5] =	sst s10  }
0x32: {  	s10 =	sld [smem:$0x3FB3];
	_ =	sdelay $0x3  }
0x33: {  	p0 =	seq.s32 s10, $0x1;
	s10 =	sld [smem:$0x3FB5];
	_ =	sdelay $0x3  }
0x34: {  	[smem:$0x3FB5] =	sst s10  }
0x35: {  	s10 =	sld [smem:$0x3FB4];
	_ =	sdelay $0x3  }
0x36: {  	p1 =	seq.s32 s10, $0x1;
	s10 =	sld [smem:$0x3FB5];
	_ =	sdelay $0x3  }
0x37: {  	[smem:$0x3FB5] =	sst s10  }
0x38: {  	s10 =	sld [smem:$0x3FB6]  }
0x39: {  	_ = 	snop;
	(pc) =	sbr.ind lr, $3  }
0x3a: {  	_ = 	snop  }
0x3b: {  	_ = 	snop  }
0x3c: {  	p2 =	seq.s32 s10, $0x1;
	s10 =	sld [smem:$0x3FB5]  }
0x3d: {  	_ =	shalt  }
0x3e: {  	_ =	shalt  }
0x3f: {  	_ =	shalt  }
0x40: {  	_ =	shalt  }
0x41: {  	_ =	shalt  }
0x42: {  	_ =	shalt  }
0x43: {  	_ =	shalt  }
0x44: {  	_ =	shalt  }
0x45: {  	_ =	shalt  }
0x46: {  	_ =	shalt  }
0x47: {  	_ =	shalt  }
0x48: {  	_ =	shalt  }
0x49: {  	_ =	shalt  }
0x4a: {  	_ =	shalt  }
0x4b: {  	_ =	shalt  }
0x4c: {  	_ =	shalt  }
0x4d: {  	_ =	shalt  }
0x4e: {  	_ =	shalt  }
0x4f: {  	_ =	shalt  }
0x50: {  	_ =	shalt  }
0x51: {  	_ =	shalt  }
0x52: {  	_ =	shalt  }
0x53: {  	_ =	shalt  }
0x54: {  	_ =	shalt  }
0x55: {  	_ =	shalt  }
0x56: {  	_ =	shalt  }
0x57: {  	_ =	shalt  }
0x58: {  	_ =	shalt  }
0x59: {  	_ =	shalt  }
0x5a: {  	_ =	shalt  }
0x5b: {  	_ =	shalt  }
0x5c: {  	_ =	shalt  }
0x5d: {  	_ =	shalt  }
0x5e: {  	_ =	shalt  }
0x5f: {  	_ =	shalt  }
0x60: {  	_ =	shalt  }
0x61: {  	_ =	shalt  }
0x62: {  	_ =	shalt  }
0x63: {  	_ =	shalt  }
0x64: {  	_ =	shalt  }
0x65: {  	_ =	shalt  }
0x66: {  	_ =	shalt  }
0x67: {  	_ =	shalt  }
0x68: {  	_ =	shalt  }
0x69: {  	_ =	shalt  }
0x6a: {  	_ =	shalt  }
0x6b: {  	_ =	shalt  }
0x6c: {  	_ =	shalt  }
0x6d: {  	_ =	shalt  }
0x6e: {  	_ =	shalt  }
0x6f: {  	_ =	shalt  }
0x70: {  	_ =	shalt  }
0x71: {  	_ =	shalt  }
0x72: {  	_ =	shalt  }
0x73: {  	_ =	shalt  }
0x74: {  	_ =	shalt  }
0x75: {  	_ =	shalt  }
0x76: {  	_ =	shalt  }
0x77: {  	_ =	shalt  }
0x78: {  	_ =	shalt  }
0x79: {  	_ =	shalt  }
0x7a: {  	_ =	shalt  }
0x7b: {  	_ =	shalt  }
0x7c: {  	_ =	shalt  }
0x7d: {  	_ =	shalt  }
0x7e: {  	_ =	shalt  }
0x7f: {  	_ =	shalt  }
0x80: {  	_ =	shalt  }
0x81: {  	_ =	shalt  }
0x82: {  	_ =	shalt  }
0x83: {  	_ =	shalt  }
0x84: {  	_ =	shalt  }
0x85: {  	_ =	shalt  }
0x86: {  	_ =	shalt  }
0x87: {  	_ =	shalt  }
.Lfunc_end0:
.L_simem_size_0:
called_computation.1_lowered:
.L_overlay_start_0:
0x88: {  	s2 =	sld [smem:$0x3FD9]  }
0x89: {  	s3 =	sld [smem:$0x3FFE];
	_ =	sdelay $0x1  }
0x8a: {  	s1 =	srdreg.scid  }
0x8b: {  	s0 =	sand.u32 $0x1, s1  }
0x8c: {  	s16 =	sshll.u32 s0, $0xA;
	s2 =	sadd.s32 s3, s2  }
0x8d: {  	s2 =	sadd.s32 s2, s16  }
0x8e: {  	[smem:$0x3FC1] =	sst s2  }
0x8f: {  	_ = 	snop  }
0x90: {  	(tm) =	ssettm $0x1  }
0x91: {  	s17 =	sld [smem:$0x3FFB];
	_ =	sdelay $0x3  }
0x92: {  	_ =	strace s17  }
0x93: {  	s2 =	sld [smem:$0x3FFC];
	_ =	sdelay $0x3  }
0x94: {  	_ =	strace s2  }
0x95: {  	s2 =	sld [smem:$0x3FFD];
	_ =	sdelay $0x3  }
0x96: {  	_ =	strace s2  }
0x97: {  	_ =	strace $0x8FFFFFFF  }
0x98: {  	s18 =	sld [smem:$0x3FDB];
	_ =	sdelay $0x1  }
0x99: {  	s19 =	simm.s32 $_scs_section_size  }
0x9a: {  	s4 =	simm.s32 $_size__tile_overlayer_lowered;
	s5 =	simm.s32 $_tile_overlayer_lowered  }
0x9b: {  	s22 =	simm.s32 $0x1BFF;
	s21 =	sshll.u32 s5, $0x1;
	s2 =	sadd.s32 s19, s18  }
0x9c: {  	s6 =	simm.s32 $0x0;
	s20 =	sshll.u32 s4, $0x1;
	s4 =	sadd.s32 s21, s2  }
0x9d: {  	[timem:s6], [sflag:s22] =	dma.local [hbm:s4], s20  }
0x9e: {  	_ =	swait.ge [sflag:s22], s20  }
0x9f: {  	s3 =	ssub.s32 $0x0, s20;
	[sflag:s22] =	ssyncset.done $0x0  }
0xa0: {  	[sflag:s22] =	ssyncadd.s32 s3;
	_ =	sdelay $0x1  }
0xa1: {  	s23 =	simm.s32 $0x1B8B  }
0xa2: {  	_ =	swait.ge [sflag:s23], $0x1  }
0xa3: {  	[sflag:s23] =	ssyncset.done $0x0  }
0xa4: {  	s25 =	simm.s32 $0x1B8E;
	s24 =	sld [smem:$0x3FFE];
	[sflag:s23] =	ssyncadd.s32 $0xFFFFFFFF  }
0xa5: {  	s26 =	simm.s32 $execute0_lowered;
	[smem:$0x3FD2] =	sst s25  }
0xa6: {  	s4 =	sshll.u32 s26, $0x1;
	_ =	strace $0x80000049;
	[dreg:$0x1] =	wrdreg $0xFFFFFFFF  }
0xa7: {  	s28 =	simm.s32 $_size_execute0_lowered;
	s2 =	sadd.s32 s2, s4;
	[dreg:$0x0] =	wrdreg $0x0  }
0xa8: {  	s4 =	sshll.u32 s28, $0x1;
	[dreg:$0x2] =	wrdreg s2  }
0xa9: {  	[dreg:$0x3] =	wrdreg s4  }
0xaa: {  	[dreg:$0x4] =	wrdreg $0xC0  }
0xab: {  	_ =	task [dreg:s6], $0x5FFFF  }
0xac: {  	[dreg:$0x1] =	wrdreg $0xFFFFFFFF  }
0xad: {  	[dreg:$0x0] =	wrdreg $0x60  }
0xae: {  	[dreg:$0x2] =	wrdreg s24  }
0xaf: {  	[dreg:$0x3] =	wrdreg $0x9  }
0xb0: {  	_ =	task.clear_ibuf [dreg:s6], $0x4FFFF;
	_ =	strace $0x90000049  }
0xb1: {  	s29 =	simm.s32 $0x9;
	_ =	strace $0x8000004B  }
0xb2: {  	_ =	swait.ge [sflag:s29], $0x1  }
0xb3: {  	[sflag:s29] =	ssyncadd.s32 $0xFFFFFFFF  }
0xb4: {  	_ =	strace $0x9000004B  }
0xb5: {  	_ =	sfence  }
0xb6: {  	s30 =	sld [smem:$0x0];
	_ =	sdelay $0x2  }
0xb7: {  	s31 =	sshll.u32 s1, $0xD;
	s1 =	sshrl.u32 s1, $0x2  }
0xb8: {  	s3 =	sand.u32 $0x4000, s31;
	s1 =	sadd.s32 s1, s30  }
0xb9: {  	s0 =	sor.u32 s3, s0;
	s1 =	sshll.u32 s1, $0x11  }
0xba: {  	s0 =	sor.u32 s1, s0  }
0xbb: {  	s0 =	sadd.s32 $0x8F2B, s0  }
0xbc: {  	[sflag:s0] =	ssyncadd.remote.s32 $0x1  }
0xbd: {  	_ =	sfence.sel $0xFFFF  }
0xbe: {  	[dreg:$0x0] =	wrdreg $0xFFFFFFFF;
	(pc) =	sbr.abs _section_cstart, $3  }
0xbf: {  	[dreg:$0x1] =	wrdreg $0xFFFFFFFF  }
0xc0: {  	_ =	task.clear_ibuf [dreg:s6], $0x2FFFF;
	_ =	strace $0x9FFFFFFF  }
0xc1: {  	(tm) =	ssettm $0x7FFFFFFF  }
tec
execute0_lowered:
.L_overlay_start_1:
0x0: {  	(tag) =	ssettag $0x1  }
0x1: {  	s0 =	srdreg.scid  }
0x2: {  	s1 =	sand.u32 $0x1, s0  }
0x3: {  	s6 =	stileid.u32;
	s2 =	sshll.u32 s1, $0x4  }
0x4: {  	s4 =	rddreg [dreg:$0x0];
	s3 =	sor.u32 s6, s2;
	s2 =	simm.s32 $0x0  }
0x5: {  	s7 =	simm.s32 $0x1A00;
	[smem:$0x7FF] =	sst s2  }
0x6: {  	s8 =	simm.s32 $0x100;
	_ =	strace $0x8000004A;
	[dreg:$0x4] =	wrdreg s7  }
0x7: {  	s9 =	simm.s32 $0x2A00;
	[dreg:$0x5] =	wrdreg s8  }
0x8: {  	s10 =	simm.s32 $0x180;
	[dreg:$0x6] =	wrdreg s9  }
0x9: {  	s11 =	simm.s32 $0x3A00;
	[dreg:$0x7] =	wrdreg s10  }
0xa: {  	s12 =	simm.s32 $0x200;
	[dreg:$0x8] =	wrdreg s11  }
0xb: {  	s13 =	simm.s32 $0x4A00;
	[dreg:$0x9] =	wrdreg s12  }
0xc: {  	s14 =	simm.s32 $0x280;
	[dreg:$0xa] =	wrdreg s13  }
0xd: {  	s15 =	simm.s32 $0x5A00;
	[dreg:$0xb] =	wrdreg s14  }
0xe: {  	s16 =	simm.s32 $0x300;
	[dreg:$0xc] =	wrdreg s15  }
0xf: {  	s17 =	simm.s32 $0x6A00;
	[dreg:$0xd] =	wrdreg s16  }
0x10: {  	s18 =	simm.s32 $0x380;
	s5 =	smul.u32 $0x140, s3;
	[dreg:$0xe] =	wrdreg s17  }
0x11: {  	s19 =	simm.s32 $0x7A00;
	s3 =	smul.u32 $0x2800, s3;
	[dreg:$0xf] =	wrdreg s18  }
0x12: {  	s6 =	simm.s32 $0x400;
	[dreg:$0x10] =	wrdreg s19;
	s5 =	sadd.s32 s5, s4  }
0x13: {  	[dreg:$0x11] =	wrdreg s6;
	s3 =	sadd.s32 s3, s4;
	s5 =	sadd.s32 $0x81800, s5  }
0x14: {  	s3 =	sadd.s32 $0xC00, s3;
	[dreg:$0x2] =	wrdreg s5  }
0x15: {  	[dreg:$0x3] =	wrdreg s3  }
0x16: {  	s3 =	simm.s32 $0x2;
	s5 =	rddreg [dreg:$0x2]  }
0x17: {  	[tilespmem:s2], [sflag:$0x2] =	stream.linear.gather [hbm4b:s5+s2], $0xA00, $0x38;
	[tilespmem:$0x14A00] =	vst v63  }
0x18: {  	_ =	swait.ge [sflag:s3], $0xA00  }
0x19: {  	s7 =	rddreg [dreg:$0x10]  }
0x1a: {  	s8 =	rddreg [dreg:$0xe]  }
0x1b: {  	s9 =	rddreg [dreg:$0xc]  }
0x1c: {  	s6 =	simm.s32 $0x80;
	s10 =	rddreg [dreg:$0xa]  }
0x1d: {  	s4 =	sadd.s32 $0x84000, s4;
	s11 =	rddreg [dreg:$0x5];
	[sflag:s3] =	ssyncset.done $0x0  }
0x1e: {  	s5 =	simm.s32 $0xA00;
	s12 =	rddreg [dreg:$0x4];
	[sflag:s3] =	ssyncadd.s32 $0xFFFFF600  }
0x1f: {  	[tilespmem:s5], [sflag:$0x1] =	stream.indirect.gather [hbm4b:s4+s6], $0x20, s2, s6, $0xb8;
	[tilespmem:$0x14A00] =	vst v63  }
0x20: {  	s13 =	rddreg [dreg:$0x6]  }
0x21: {  	[tilespmem:s12], [sflag:$0x1] =	stream.indirect.gather [hbm4b:s4+s6], $0x20, s6, s6, $0xb8;
	[tilespmem:$0x14A00] =	vst v63  }
0x22: {  	s14 =	rddreg [dreg:$0x8]  }
0x23: {  	[tilespmem:s13], [sflag:$0x1] =	stream.indirect.gather [hbm4b:s4+s6], $0x20, s11, s6, $0xb8;
	[tilespmem:$0x14A00] =	vst v63  }
0x24: {  	s20 =	rddreg [dreg:$0x7]  }
0x25: {  	[tilespmem:s14], [sflag:$0x1] =	stream.indirect.gather [hbm4b:s4+s6], $0x20, s20, s6, $0xb8;
	[tilespmem:$0x14A00] =	vst v63  }
0x26: {  	s21 =	rddreg [dreg:$0x9]  }
0x27: {  	[tilespmem:s10], [sflag:$0x1] =	stream.indirect.gather [hbm4b:s4+s6], $0x20, s21, s6, $0xb8;
	[tilespmem:$0x14A00] =	vst v63  }
0x28: {  	s22 =	rddreg [dreg:$0xb]  }
0x29: {  	[tilespmem:s9], [sflag:$0x1] =	stream.indirect.gather [hbm4b:s4+s6], $0x20, s22, s6, $0xb8;
	[tilespmem:$0x14A00] =	vst v63  }
0x2a: {  	s23 =	rddreg [dreg:$0xd]  }
0x2b: {  	[tilespmem:s8], [sflag:$0x1] =	stream.indirect.gather [hbm4b:s4+s6], $0x20, s23, s6, $0xb8;
	[tilespmem:$0x14A00] =	vst v63  }
0x2c: {  	s24 =	rddreg [dreg:$0xf]  }
0x2d: {  	[tilespmem:s7], [sflag:$0x1] =	stream.indirect.gather [hbm4b:s4+s6], $0x20, s24, s6, $0xb8;
	[tilespmem:$0x14A00] =	vst v63  }
0x2e: {  	s26 =	simm.s32 $0x8A00;
	s25 =	rddreg [dreg:$0x11]  }
0x2f: {  	[tilespmem:s26], [sflag:$0x1] =	stream.indirect.gather [hbm4b:s4+s6], $0x20, s25, s6, $0xb8;
	[tilespmem:$0x14A00] =	vst v63  }
0x30: {  	s8 =	simm.s32 $0x9A00;
	s7 =	simm.s32 $0x480  }
0x31: {  	[tilespmem:s8], [sflag:$0x1] =	stream.indirect.gather [hbm4b:s4+s6], $0x20, s7, s6, $0xb8;
	[tilespmem:$0x14A00] =	vst v63  }
0x32: {  	s10 =	simm.s32 $0xAA00;
	s9 =	simm.s32 $0x500  }
0x33: {  	[tilespmem:s10], [sflag:$0x1] =	stream.indirect.gather [hbm4b:s4+s6], $0x20, s9, s6, $0xb8;
	[tilespmem:$0x14A00] =	vst v63  }
0x34: {  	s12 =	simm.s32 $0xBA00;
	s11 =	simm.s32 $0x580  }
0x35: {  	[tilespmem:s12], [sflag:$0x1] =	stream.indirect.gather [hbm4b:s4+s6], $0x20, s11, s6, $0xb8;
	[tilespmem:$0x14A00] =	vst v63  }
0x36: {  	s15 =	simm.s32 $0xCA00;
	s14 =	simm.s32 $0x600  }
0x37: {  	[tilespmem:s15], [sflag:$0x1] =	stream.indirect.gather [hbm4b:s4+s6], $0x20, s14, s6, $0xb8;
	[tilespmem:$0x14A00] =	vst v63  }
0x38: {  	s16 =	simm.s32 $0x680;
	s17 =	simm.s32 $0xDA00  }
0x39: {  	[tilespmem:s17], [sflag:$0x1] =	stream.indirect.gather [hbm4b:s4+s6], $0x20, s16, s6, $0xb8;
	[tilespmem:$0x14A00] =	vst v63  }
0x3a: {  	s18 =	simm.s32 $0x700;
	s19 =	simm.s32 $0xEA00  }
0x3b: {  	[tilespmem:s19], [sflag:$0x1] =	stream.indirect.gather [hbm4b:s4+s6], $0x20, s18, s6, $0xb8;
	[tilespmem:$0x14A00] =	vst v63  }
0x3c: {  	s20 =	simm.s32 $0x780;
	s21 =	simm.s32 $0xFA00  }
0x3d: {  	[tilespmem:s21], [sflag:$0x1] =	stream.indirect.gather [hbm4b:s4+s6], $0x20, s20, s6, $0xb8;
	[tilespmem:$0x14A00] =	vst v63  }
0x3e: {  	s22 =	simm.s32 $0x800;
	s23 =	simm.s32 $0x10A00  }
0x3f: {  	[tilespmem:s23], [sflag:$0x1] =	stream.indirect.gather [hbm4b:s4+s6], $0x20, s22, s6, $0xb8;
	[tilespmem:$0x14A00] =	vst v63  }
0x40: {  	s24 =	simm.s32 $0x880;
	s25 =	simm.s32 $0x11A00  }
0x41: {  	[tilespmem:s25], [sflag:$0x1] =	stream.indirect.gather [hbm4b:s4+s6], $0x20, s24, s6, $0xb8;
	[tilespmem:$0x14A00] =	vst v63  }
0x42: {  	s28 =	simm.s32 $0x12A00;
	s26 =	simm.s32 $0x900  }
0x43: {  	[tilespmem:s28], [sflag:$0x1] =	stream.indirect.gather [hbm4b:s4+s6], $0x20, s26, s6, $0xb8;
	[tilespmem:$0x14A00] =	vst v63  }
0x44: {  	s30 =	simm.s32 $0x980;
	s31 =	simm.s32 $0x13A00;
	s29 =	simm.s32 $0x1  }
0x45: {  	[tilespmem:s31], [sflag:$0x1] =	stream.indirect.gather [hbm4b:s4+s6], $0x20, s30, s6, $0xb8;
	[tilespmem:$0x14A00] =	vst v63  }
0x46: {  	_ =	swait.ge [sflag:s29], $0x1000  }
0x47: {  	[sflag:s29] =	ssyncset.done $0x0  }
0x48: {  	[sflag:s29] =	ssyncadd.s32 $0xFFFFF000  }
0x49: {  	_ =	swait.ge [sflag:s29], $0x1000  }
0x4a: {  	[sflag:s29] =	ssyncset.done $0x0  }
0x4b: {  	[sflag:s29] =	ssyncadd.s32 $0xFFFFF000  }
0x4c: {  	_ =	swait.ge [sflag:s29], $0x1000  }
0x4d: {  	[sflag:s29] =	ssyncset.done $0x0  }
0x4e: {  	[sflag:s29] =	ssyncadd.s32 $0xFFFFF000  }
0x4f: {  	_ =	swait.ge [sflag:s29], $0x1000  }
0x50: {  	[sflag:s29] =	ssyncset.done $0x0  }
0x51: {  	[sflag:s29] =	ssyncadd.s32 $0xFFFFF000  }
0x52: {  	_ =	swait.ge [sflag:s29], $0x1000  }
0x53: {  	[sflag:s29] =	ssyncset.done $0x0  }
0x54: {  	[sflag:s29] =	ssyncadd.s32 $0xFFFFF000  }
0x55: {  	_ =	swait.ge [sflag:s29], $0x1000  }
0x56: {  	[sflag:s29] =	ssyncset.done $0x0  }
0x57: {  	[sflag:s29] =	ssyncadd.s32 $0xFFFFF000  }
0x58: {  	_ =	swait.ge [sflag:s29], $0x1000  }
0x59: {  	[sflag:s29] =	ssyncset.done $0x0  }
0x5a: {  	[sflag:s29] =	ssyncadd.s32 $0xFFFFF000  }
0x5b: {  	_ =	swait.ge [sflag:s29], $0x1000  }
0x5c: {  	[sflag:s29] =	ssyncset.done $0x0  }
0x5d: {  	[sflag:s29] =	ssyncadd.s32 $0xFFFFF000  }
0x5e: {  	_ =	swait.ge [sflag:s29], $0x1000  }
0x5f: {  	[sflag:s29] =	ssyncset.done $0x0  }
0x60: {  	[sflag:s29] =	ssyncadd.s32 $0xFFFFF000  }
0x61: {  	_ =	swait.ge [sflag:s29], $0x1000  }
0x62: {  	[sflag:s29] =	ssyncset.done $0x0  }
0x63: {  	[sflag:s29] =	ssyncadd.s32 $0xFFFFF000  }
0x64: {  	_ =	swait.ge [sflag:s29], $0x1000  }
0x65: {  	[sflag:s29] =	ssyncset.done $0x0  }
0x66: {  	[sflag:s29] =	ssyncadd.s32 $0xFFFFF000  }
0x67: {  	_ =	swait.ge [sflag:s29], $0x1000  }
0x68: {  	[sflag:s29] =	ssyncset.done $0x0  }
0x69: {  	[sflag:s29] =	ssyncadd.s32 $0xFFFFF000  }
0x6a: {  	_ =	swait.ge [sflag:s29], $0x1000  }
0x6b: {  	[sflag:s29] =	ssyncset.done $0x0  }
0x6c: {  	[sflag:s29] =	ssyncadd.s32 $0xFFFFF000  }
0x6d: {  	_ =	swait.ge [sflag:s29], $0x1000  }
0x6e: {  	[sflag:s29] =	ssyncset.done $0x0  }
0x6f: {  	[sflag:s29] =	ssyncadd.s32 $0xFFFFF000  }
0x70: {  	_ =	swait.ge [sflag:s29], $0x1000  }
0x71: {  	[sflag:s29] =	ssyncset.done $0x0  }
0x72: {  	[sflag:s29] =	ssyncadd.s32 $0xFFFFF000  }
0x73: {  	_ =	swait.ge [sflag:s29], $0x1000  }
0x74: {  	[sflag:s29] =	ssyncset.done $0x0  }
0x75: {  	[sflag:s29] =	ssyncadd.s32 $0xFFFFF000  }
0x76: {  	s1 =	ssub.s32 $0x2, s1;
	_ =	swait.ge [sflag:s29], $0x1000  }
0x77: {  	s13 =	sshrl.u32 s1, $0x1;
	[sflag:s29] =	ssyncset.done $0x0  }
0x78: {  	s0 =	ssub.s32 s1, s13;
	[sflag:s29] =	ssyncadd.s32 $0xFFFFF000  }
0x79: {  	s0 =	smax.u32 s0, $0x1;
	_ =	swait.ge [sflag:s29], $0x1000  }
0x7a: {  	p0 =	sne.s32 s0, $0x1;
	[sflag:s29] =	ssyncset.done $0x0  }
.Ltmp0:
0x7b: {  	[sflag:s29] =	ssyncadd.s32 $0xFFFFF000;
	(pc) =	sbr.rel @!p0 .LBB2_2-.Ltmp0, $4  }
0x7c: {  	_ =	swait.ge [sflag:s29], $0x1000  }
0x7d: {  	[sflag:s29] =	ssyncset.done $0x0  }
0x7e: {  	[sflag:s29] =	ssyncadd.s32 $0xFFFFF000  }
0x7f: {  	s1 =	sadd.s32 $0xFFFFFFFF, s0;
	_ =	swait.ge [sflag:s29], $0x1000  }
.LBB2_1:
0x80: {  	[sflag:s29] =	ssyncset.done $0x0  }
0x81: {  	s0 =	rddreg [dreg:$0x3];
	[sflag:s29] =	ssyncadd.s32 $0xFFFFF000  }
0x82: {  	[hbm4b:s0+s2] =	stream.linear.scatter [tilespmem:s5], [sflag:$0x2], $0x14000, $0x38;
	[tilespmem:$0x14A00] =	vst v63  }
0x83: {  	_ =	swait.ge [sflag:s3], $0x14000  }
0x84: {  	[sflag:s3] =	ssyncset.done $0x0  }
0x85: {  	s11 =	rddreg [dreg:$0x2];
	[sflag:s3] =	ssyncadd.s32 $0xFFFEC000  }
0x86: {  	[tilespmem:s2], [sflag:$0x2] =	stream.linear.gather [hbm4b:s11+s2], $0xA00, $0x38;
	[tilespmem:$0x14A00] =	vst v63  }
0x87: {  	_ =	swait.ge [sflag:s3], $0xA00  }
0x88: {  	s0 =	rddreg [dreg:$0x10]  }
0x89: {  	s7 =	rddreg [dreg:$0xe]  }
0x8a: {  	s8 =	rddreg [dreg:$0xc]  }
0x8b: {  	s9 =	rddreg [dreg:$0xa]  }
0x8c: {  	s10 =	rddreg [dreg:$0x5];
	[sflag:s3] =	ssyncset.done $0x0  }
0x8d: {  	s11 =	rddreg [dreg:$0x4];
	[sflag:s3] =	ssyncadd.s32 $0xFFFFF600  }
0x8e: {  	[tilespmem:s5], [sflag:$0x1] =	stream.indirect.gather [hbm4b:s4+s6], $0x20, s2, s6, $0xb8;
	[tilespmem:$0x14A00] =	vst v63  }
0x8f: {  	s12 =	rddreg [dreg:$0x6]  }
0x90: {  	[tilespmem:s11], [sflag:$0x1] =	stream.indirect.gather [hbm4b:s4+s6], $0x20, s6, s6, $0xb8;
	[tilespmem:$0x14A00] =	vst v63  }
0x91: {  	s13 =	rddreg [dreg:$0x8]  }
0x92: {  	[tilespmem:s12], [sflag:$0x1] =	stream.indirect.gather [hbm4b:s4+s6], $0x20, s10, s6, $0xb8;
	[tilespmem:$0x14A00] =	vst v63  }
0x93: {  	s11 =	rddreg [dreg:$0x7]  }
0x94: {  	[tilespmem:s13], [sflag:$0x1] =	stream.indirect.gather [hbm4b:s4+s6], $0x20, s11, s6, $0xb8;
	[tilespmem:$0x14A00] =	vst v63  }
0x95: {  	s12 =	rddreg [dreg:$0x9]  }
0x96: {  	[tilespmem:s9], [sflag:$0x1] =	stream.indirect.gather [hbm4b:s4+s6], $0x20, s12, s6, $0xb8;
	[tilespmem:$0x14A00] =	vst v63  }
0x97: {  	s13 =	rddreg [dreg:$0xb]  }
0x98: {  	[tilespmem:s8], [sflag:$0x1] =	stream.indirect.gather [hbm4b:s4+s6], $0x20, s13, s6, $0xb8;
	[tilespmem:$0x14A00] =	vst v63  }
0x99: {  	s10 =	rddreg [dreg:$0xd]  }
0x9a: {  	[tilespmem:s7], [sflag:$0x1] =	stream.indirect.gather [hbm4b:s4+s6], $0x20, s10, s6, $0xb8;
	[tilespmem:$0x14A00] =	vst v63  }
0x9b: {  	s11 =	rddreg [dreg:$0xf]  }
0x9c: {  	[tilespmem:s0], [sflag:$0x1] =	stream.indirect.gather [hbm4b:s4+s6], $0x20, s11, s6, $0xb8;
	[tilespmem:$0x14A00] =	vst v63  }
0x9d: {  	s12 =	rddreg [dreg:$0x11];
	s13 =	simm.s32 $0x8A00  }
0x9e: {  	[tilespmem:s13], [sflag:$0x1] =	stream.indirect.gather [hbm4b:s4+s6], $0x20, s12, s6, $0xb8;
	[tilespmem:$0x14A00] =	vst v63  }
0x9f: {  	s9 =	simm.s32 $0x9A00;
	s8 =	simm.s32 $0x480  }
0xa0: {  	[tilespmem:s9], [sflag:$0x1] =	stream.indirect.gather [hbm4b:s4+s6], $0x20, s8, s6, $0xb8;
	[tilespmem:$0x14A00] =	vst v63  }
0xa1: {  	s10 =	simm.s32 $0x500;
	s11 =	simm.s32 $0xAA00  }
0xa2: {  	[tilespmem:s11], [sflag:$0x1] =	stream.indirect.gather [hbm4b:s4+s6], $0x20, s10, s6, $0xb8;
	[tilespmem:$0x14A00] =	vst v63  }
0xa3: {  	s12 =	simm.s32 $0x580;
	s13 =	simm.s32 $0xBA00  }
0xa4: {  	[tilespmem:s13], [sflag:$0x1] =	stream.indirect.gather [hbm4b:s4+s6], $0x20, s12, s6, $0xb8;
	[tilespmem:$0x14A00] =	vst v63  }
0xa5: {  	_ = 	snop  }
0xa6: {  	[tilespmem:s15], [sflag:$0x1] =	stream.indirect.gather [hbm4b:s4+s6], $0x20, s14, s6, $0xb8;
	[tilespmem:$0x14A00] =	vst v63  }
0xa7: {  	_ = 	snop  }
0xa8: {  	[tilespmem:s17], [sflag:$0x1] =	stream.indirect.gather [hbm4b:s4+s6], $0x20, s16, s6, $0xb8;
	[tilespmem:$0x14A00] =	vst v63  }
0xa9: {  	_ = 	snop  }
0xaa: {  	[tilespmem:s19], [sflag:$0x1] =	stream.indirect.gather [hbm4b:s4+s6], $0x20, s18, s6, $0xb8;
	[tilespmem:$0x14A00] =	vst v63  }
0xab: {  	_ = 	snop  }
0xac: {  	[tilespmem:s21], [sflag:$0x1] =	stream.indirect.gather [hbm4b:s4+s6], $0x20, s20, s6, $0xb8;
	[tilespmem:$0x14A00] =	vst v63  }
0xad: {  	_ = 	snop  }
0xae: {  	[tilespmem:s23], [sflag:$0x1] =	stream.indirect.gather [hbm4b:s4+s6], $0x20, s22, s6, $0xb8;
	[tilespmem:$0x14A00] =	vst v63  }
0xaf: {  	_ = 	snop  }
0xb0: {  	[tilespmem:s25], [sflag:$0x1] =	stream.indirect.gather [hbm4b:s4+s6], $0x20, s24, s6, $0xb8;
	[tilespmem:$0x14A00] =	vst v63  }
0xb1: {  	_ = 	snop  }
0xb2: {  	[tilespmem:s28], [sflag:$0x1] =	stream.indirect.gather [hbm4b:s4+s6], $0x20, s26, s6, $0xb8;
	[tilespmem:$0x14A00] =	vst v63  }
0xb3: {  	_ = 	snop  }
0xb4: {  	[tilespmem:s31], [sflag:$0x1] =	stream.indirect.gather [hbm4b:s4+s6], $0x20, s30, s6, $0xb8;
	[tilespmem:$0x14A00] =	vst v63  }
0xb5: {  	_ =	swait.ge [sflag:s29], $0x1000  }
0xb6: {  	[sflag:s29] =	ssyncset.done $0x0  }
0xb7: {  	[sflag:s29] =	ssyncadd.s32 $0xFFFFF000  }
0xb8: {  	_ =	swait.ge [sflag:s29], $0x1000  }
0xb9: {  	[sflag:s29] =	ssyncset.done $0x0  }
0xba: {  	[sflag:s29] =	ssyncadd.s32 $0xFFFFF000  }
0xbb: {  	_ =	swait.ge [sflag:s29], $0x1000  }
0xbc: {  	[sflag:s29] =	ssyncset.done $0x0  }
0xbd: {  	[sflag:s29] =	ssyncadd.s32 $0xFFFFF000  }
0xbe: {  	_ =	swait.ge [sflag:s29], $0x1000  }
0xbf: {  	[sflag:s29] =	ssyncset.done $0x0  }
0xc0: {  	[sflag:s29] =	ssyncadd.s32 $0xFFFFF000  }
0xc1: {  	_ =	swait.ge [sflag:s29], $0x1000  }
0xc2: {  	[sflag:s29] =	ssyncset.done $0x0  }
0xc3: {  	[sflag:s29] =	ssyncadd.s32 $0xFFFFF000  }
0xc4: {  	_ =	swait.ge [sflag:s29], $0x1000  }
0xc5: {  	[sflag:s29] =	ssyncset.done $0x0  }
0xc6: {  	[sflag:s29] =	ssyncadd.s32 $0xFFFFF000  }
0xc7: {  	_ =	swait.ge [sflag:s29], $0x1000  }
0xc8: {  	[sflag:s29] =	ssyncset.done $0x0  }
0xc9: {  	[sflag:s29] =	ssyncadd.s32 $0xFFFFF000  }
0xca: {  	_ =	swait.ge [sflag:s29], $0x1000  }
0xcb: {  	[sflag:s29] =	ssyncset.done $0x0  }
0xcc: {  	[sflag:s29] =	ssyncadd.s32 $0xFFFFF000  }
0xcd: {  	_ =	swait.ge [sflag:s29], $0x1000  }
0xce: {  	[sflag:s29] =	ssyncset.done $0x0  }
0xcf: {  	[sflag:s29] =	ssyncadd.s32 $0xFFFFF000  }
0xd0: {  	_ =	swait.ge [sflag:s29], $0x1000  }
0xd1: {  	[sflag:s29] =	ssyncset.done $0x0  }
0xd2: {  	[sflag:s29] =	ssyncadd.s32 $0xFFFFF000  }
0xd3: {  	_ =	swait.ge [sflag:s29], $0x1000  }
0xd4: {  	[sflag:s29] =	ssyncset.done $0x0  }
0xd5: {  	[sflag:s29] =	ssyncadd.s32 $0xFFFFF000  }
0xd6: {  	_ =	swait.ge [sflag:s29], $0x1000  }
0xd7: {  	[sflag:s29] =	ssyncset.done $0x0  }
0xd8: {  	[sflag:s29] =	ssyncadd.s32 $0xFFFFF000  }
0xd9: {  	_ =	swait.ge [sflag:s29], $0x1000  }
0xda: {  	[sflag:s29] =	ssyncset.done $0x0  }
0xdb: {  	[sflag:s29] =	ssyncadd.s32 $0xFFFFF000  }
0xdc: {  	_ =	swait.ge [sflag:s29], $0x1000  }
0xdd: {  	[sflag:s29] =	ssyncset.done $0x0  }
0xde: {  	[sflag:s29] =	ssyncadd.s32 $0xFFFFF000  }
0xdf: {  	_ =	swait.ge [sflag:s29], $0x1000  }
0xe0: {  	[sflag:s29] =	ssyncset.done $0x0  }
0xe1: {  	[sflag:s29] =	ssyncadd.s32 $0xFFFFF000  }
0xe2: {  	_ =	swait.ge [sflag:s29], $0x1000  }
0xe3: {  	[sflag:s29] =	ssyncset.done $0x0  }
0xe4: {  	[sflag:s29] =	ssyncadd.s32 $0xFFFFF000  }
0xe5: {  	_ =	swait.ge [sflag:s29], $0x1000  }
0xe6: {  	[sflag:s29] =	ssyncset.done $0x0  }
0xe7: {  	[sflag:s29] =	ssyncadd.s32 $0xFFFFF000  }
0xe8: {  	_ =	swait.ge [sflag:s29], $0x1000  }
0xe9: {  	p0 =	sne.s32 s1, $0x1;
	[sflag:s29] =	ssyncset.done $0x0  }
.Ltmp1:
0xea: {  	[sflag:s29] =	ssyncadd.s32 $0xFFFFF000;
	(pc) =	sbr.rel @p0 .LBB2_1-.Ltmp1, $4  }
0xeb: {  	_ =	swait.ge [sflag:s29], $0x1000  }
0xec: {  	[sflag:s29] =	ssyncset.done $0x0  }
0xed: {  	[sflag:s29] =	ssyncadd.s32 $0xFFFFF000  }
0xee: {  	s1 =	sadd.s32 $0xFFFFFFFF, s1;
	_ =	swait.ge [sflag:s29], $0x1000  }
.LBB2_2:
0xef: {  	[sflag:s29] =	ssyncset.done $0x0  }
0xf0: {  	s0 =	rddreg [dreg:$0x3];
	[sflag:s29] =	ssyncadd.s32 $0xFFFFF000  }
0xf1: {  	[hbm4b:s0+s2] =	stream.linear.scatter [tilespmem:s5], [sflag:$0x2], $0x14000, $0x38;
	[tilespmem:$0x14A00] =	vst v63  }
0xf2: {  	_ =	swait.ge [sflag:s3], $0x14000  }
0xf3: {  	[sflag:s3] =	ssyncset.done $0x0  }
0xf4: {  	[sflag:s3] =	ssyncadd.s32 $0xFFFEC000  }
0xf5: {  	_ =	sfence.sel $0x180000  }
0xf6: {  	[bflag:$0x0] =	sbarrier.arrive $0xFFFF  }
0xf7: {  	_ =	strace $0x9000004A  }
0xf8: {  	s31 =	stileid.u32;
	[bflag:$0x2] =	sbarrier.arrive $0xFFFF  }
0xf9: {  	p0 =	sne.s32 s31, $0x0;
	s0 =	rddreg [dreg:$0x1]  }
0xfa: {  	s0 =	sadd.s32 @!p0 $0x100000, s0  }
0xfb: {  	[sflag:s0] =	ssyncadd.tile.s32 @!p0 $0x1;
	_ =	shalt  }
.Lfunc_end2:
_tile_overlayer_lowered:
.L_overlay_start_2:
0xfc: {  	(tag) =	ssettag $0x2  }
0xfd: {  	s0 =	rddreg [dreg:$0x0];
	s2 =	stileid.u32  }
0xfe: {  	s1 =	rddreg [dreg:$0x1];
	p0 =	sne.s32 s2, $0x0  }
0xff: {  	s3 =	rddreg [dreg:$0x2];
	[bflag:$0x3] =	sbarrier.arrive $0xFFFF;
	s2 =	simm.s32 @!p0 $0x1C02  }
0x100: {  	[timem:s3], [sflag:s2] =	dma.local @!p0 [hbm:s0], s1  }
0x101: {  	s0 =	simm.s32 @!p0 $0x2  }
0x102: {  	_ =	swait.ge @!p0 [sflag:s0], s1  }
0x103: {  	s1 =	ssub.s32 @!p0 $0x0, s1;
	[sflag:s0] =	ssyncset.done @!p0 $0x0  }
0x104: {  	[sflag:s0] =	ssyncadd.s32 @!p0 s1  }
0x105: {  	[bflag:$0x3] =	sbarrier.arrive $0xFFFF  }
0x106: {  	_ =	shalt  }

</sc_bundles>
